<compile_context>
chip_gen: v7x
topology: tpu7x:2x2x1
jax: 0.10.2.dev20260603
libtpu: 0.0.44.dev20260713+nightly
codegen_flags: <defaults>
</compile_context>

<pallas_src>
import functools

import jax
import jax.numpy as jnp
from jax import lax
from jax.experimental import pallas as pl
from jax.experimental.pallas import tpu as pltpu
from jax.experimental.pallas import tpu_sc as plsc

_N = 10000
_E = 320000
_D = 128
_NC = 2
_NS = 16
_NW = _NC * _NS
_EW = _E // _NW
_B = 80
_NB = _EW // _B
_NPAD = 10240
_RPT = _NPAD // _NS
_CW = 16


def _make_seg_sum(with_counts: bool):
    mesh = plsc.VectorSubcoreMesh(core_axis_name="c", subcore_axis_name="s")
    out_type = [jax.ShapeDtypeStruct((_NC, _NPAD, _D), jnp.float32)]
    scratch = [
        pltpu.VMEM_SHARED((_NPAD, _D), jnp.float32),
        pltpu.VMEM((_B,), jnp.int32),
        pltpu.VMEM((_B,), jnp.int32),
        pltpu.VMEM((_B, _D), jnp.float32),
        pltpu.SemaphoreType.DMA,
    ]
    if with_counts:
        out_type.append(jax.ShapeDtypeStruct((_NC, _NPAD), jnp.float32))
        scratch += [
            pltpu.VMEM_SHARED((_NPAD,), jnp.float32),
            pltpu.VMEM((_B,), jnp.float32),
            pltpu.VMEM((_RPT,), jnp.float32),
        ]

    def body(h_hbm, src_hbm, dst_hbm, *rest):
        if with_counts:
            out_hbm, cnt_hbm, acc, sidx, didx, rows, sem, cnt_sp, onesb, zblk = rest
        else:
            out_hbm, acc, sidx, didx, rows, sem = rest
        c = lax.axis_index("c")
        s = lax.axis_index("s")
        wid = c * _NS + s

        z16 = jnp.zeros((16,), jnp.float32)
        o16 = jnp.ones((16,), jnp.float32)

        @pl.loop(0, _B)
        def _zero_rows(i):
            for k in range(_D // 16):
                rows[i, pl.ds(16 * k, 16)] = z16

        r0 = s * _RPT
        if with_counts:
            @pl.loop(0, _RPT // 16)
            def _zero_zblk(i):
                zblk[pl.ds(16 * i, 16)] = z16

            @pl.loop(0, _B // 16)
            def _fill_ones(i):
                onesb[pl.ds(16 * i, 16)] = o16

            pltpu.sync_copy(zblk, cnt_sp.at[pl.ds(r0, _RPT)])

        for k in range(_RPT // _B):
            pltpu.sync_copy(rows, acc.at[pl.ds(r0 + k * _B, _B)])
        plsc.subcore_barrier()

        base = wid * _EW

        @pl.loop(0, _NB)
        def _edge_block(j):
            off = pl.multiple_of(base + j * _B, 8)
            pltpu.sync_copy(src_hbm.at[pl.ds(off, _B)], sidx)
            pltpu.sync_copy(dst_hbm.at[pl.ds(off, _B)], didx)
            pltpu.async_copy(h_hbm.at[sidx], rows, sem).wait()
            pltpu.sync_copy(rows, acc.at[didx], add=True)
            if with_counts:
                pltpu.sync_copy(onesb, cnt_sp.at[didx], add=True)

        plsc.subcore_barrier()
        pltpu.sync_copy(acc.at[pl.ds(r0, _RPT)], out_hbm.at[c, pl.ds(r0, _RPT)])
        if with_counts:
            pltpu.sync_copy(cnt_sp.at[pl.ds(r0, _RPT)],
                            cnt_hbm.at[c, pl.ds(r0, _RPT)])

    return pl.kernel(body, out_type=out_type, mesh=mesh,
                     scratch_types=scratch)


_seg_sum_cnt = _make_seg_sum(True)
_seg_sum = _make_seg_sum(False)

_BR = 1000


def _tc1_body(p_ref, cnt_ref, x_ref, wl_ref, wr_ref, b_ref, o_ref):
    cnt = jnp.sum(cnt_ref[...], axis=1, keepdims=True)
    agg = (p_ref[0] + p_ref[1]) / jnp.clip(cnt, 1.0, None)
    h = (jnp.dot(agg, wl_ref[...], preferred_element_type=jnp.float32)
         + jnp.dot(x_ref[...], wr_ref[...], preferred_element_type=jnp.float32)
         + b_ref[...])
    o_ref[...] = jnp.maximum(h, 0.0)


def _tc2_body(p_ref, cnt_ref, h_ref, w2l_ref, w2r_ref, b2_ref,
              wp1_ref, bp1_ref, wp2_ref, bp2_ref, o_ref):
    cnt = jnp.sum(cnt_ref[...], axis=1, keepdims=True)
    agg = (p_ref[0] + p_ref[1]) / jnp.clip(cnt, 1.0, None)
    z = (jnp.dot(agg, w2l_ref[...], preferred_element_type=jnp.float32)
         + jnp.dot(h_ref[...], w2r_ref[...], preferred_element_type=jnp.float32)
         + b2_ref[...])
    z = jnp.maximum(z, 0.0)
    z = jnp.dot(z, wp1_ref[...], preferred_element_type=jnp.float32) + bp1_ref[...]
    z = jnp.dot(z, wp2_ref[...], preferred_element_type=jnp.float32) + bp2_ref[...]
    m = jnp.max(z, axis=1, keepdims=True)
    z = z - m
    o_ref[...] = z - jnp.log(jnp.sum(jnp.exp(z), axis=1, keepdims=True))


def _row_specs(weight_shapes):
    p_spec = pl.BlockSpec((_NC, _BR, _D), lambda i: (0, i, 0))
    cnt_spec = pl.BlockSpec((_BR, _NC), lambda i: (i, 0))
    x_spec = pl.BlockSpec((_BR, _D), lambda i: (i, 0))
    w_specs = [pl.BlockSpec(s, lambda i: (0, 0)) for s in weight_shapes]
    return [p_spec, cnt_spec, x_spec] + w_specs


_W = (_D, _D)
_BIAS = (1, _D)

_tc1 = pl.pallas_call(
    _tc1_body,
    grid=(_N // _BR,),
    in_specs=_row_specs([_W, _W, _BIAS]),
    out_specs=pl.BlockSpec((_BR, _D), lambda i: (i, 0)),
    out_shape=jax.ShapeDtypeStruct((_N, _D), jnp.float32),
)

_tc2 = pl.pallas_call(
    _tc2_body,
    grid=(_N // _BR,),
    in_specs=_row_specs([_W, _W, _BIAS, _W, _BIAS, _W, _BIAS]),
    out_specs=pl.BlockSpec((_BR, _D), lambda i: (i, 0)),
    out_shape=jax.ShapeDtypeStruct((_N, _D), jnp.float32),
)


def kernel(x, edge_index, W1l, b1l, W1r, b1r, W2l, b2l, W2r, b2r,
           Wp1, bp1, Wp2, bp2):
    src = edge_index[0]
    dst = edge_index[1]
    p1, cnt = _seg_sum_cnt(x, src, dst)
    cnt = cnt.T
    h1 = _tc1(p1, cnt, x, W1l.T, W1r.T, (b1l + b1r)[None, :])
    (p2,) = _seg_sum(h1, src, dst)
    out = _tc2(p2, cnt, h1, W2l.T, W2r.T, (b2l + b2r)[None, :],
               Wp1.T, bp1[None, :], Wp2.T, bp2[None, :])
    return out

# --- scband reference (transcript-rebuilt; emitter-appended) ---
"""Pipeline reference for scband-gnnstack-66005057405238 (READ-ONLY COPY).

The authoritative reference and input builder live on the scoring server;
editing this copy changes nothing except your own understanding.
"""

import jax, jax.numpy as jnp
import numpy as np

N = 10000
E = 320000
D = 128
H = 128
O = 128


def _linear_params(key, out_dim, in_dim):
    kw, kb = jax.random.split(key)
    scale = 1.0 / np.sqrt(in_dim)
    W = jax.random.uniform(kw, (out_dim, in_dim), minval=-scale, maxval=scale, dtype=jnp.float32)
    b = jax.random.uniform(kb, (out_dim,), minval=-scale, maxval=scale, dtype=jnp.float32)
    return W, b


def setup_inputs(seed: int = 0) -> dict:
    key = jax.random.key(seed)
    ks = jax.random.split(key, 8)
    x = jax.random.normal(ks[0], (N, D), dtype=jnp.float32)
    edge_index = jax.random.randint(ks[1], (2, E), 0, N, dtype=jnp.int32)
    # Layer 1 SAGEConv: lin_l (applied to aggregated neighbors), lin_r (root)
    W1l, b1l = _linear_params(ks[2], H, D)
    W1r, b1r = _linear_params(ks[3], H, D)
    # Layer 2 SAGEConv
    W2l, b2l = _linear_params(ks[4], H, H)
    W2r, b2r = _linear_params(ks[5], H, H)
    # post_mp: Linear(H, H), Dropout(0.0), Linear(H, O)
    Wp1, bp1 = _linear_params(ks[6], H, H)
    Wp2, bp2 = _linear_params(ks[7], O, H)
    return {
        'x': x, 'edge_index': edge_index,
        'W1l': W1l, 'b1l': b1l, 'W1r': W1r, 'b1r': b1r,
        'W2l': W2l, 'b2l': b2l, 'W2r': W2r, 'b2r': b2r,
        'Wp1': Wp1, 'bp1': bp1, 'Wp2': Wp2, 'bp2': bp2,
    }


def _sage_conv(x, src, dst, Wl, bl, Wr, br):
    # PyG SAGEConv: out = lin_l(mean_{j in N(i)} x_j) + lin_r(x_i)
    msg = x[src]  # gather source node features per edge
    seg_sum = jax.ops.segment_sum(msg, dst, num_segments=N)
    cnt = jax.ops.segment_sum(jnp.ones((src.shape[0], 1), dtype=x.dtype), dst, num_segments=N)
    agg = seg_sum / jnp.clip(cnt, 1.0, None)
    return agg @ Wl.T + bl + x @ Wr.T + br


def reference(x, edge_index, W1l, b1l, W1r, b1r, W2l, b2l, W2r, b2r, Wp1, bp1, Wp2, bp2):
    src = edge_index[0]
    dst = edge_index[1]
    # GNNStack forward, GraphSage branch, dropout p=0.0 (no-op)
    h = _sage_conv(x, src, dst, W1l, b1l, W1r, b1r)
    h = jax.nn.relu(h)
    h = _sage_conv(h, src, dst, W2l, b2l, W2r, b2r)
    h = jax.nn.relu(h)
    # post_mp: Linear -> Dropout(0.0) -> Linear
    h = h @ Wp1.T + bp1
    h = h @ Wp2.T + bp2
    return jax.nn.log_softmax(h, axis=1)

if __name__ == "__main__":
    import jax
    _d = setup_inputs()
    print(jax.jit(kernel)(*tuple(_d.values())))

</pallas_src>

<mosaic_0001>
#map = affine_map<(d0, d1) -> (0, 0)>
#map1 = affine_map<(d0, d1) -> (0)>
#map2 = affine_map<(d0, d1) -> (0, 0, 0)>
module attributes {stable_mosaic.version = 14 : i64} {
  func.func @body(%arg0: i32, %arg1: i32, %arg2: memref<10000x128xf32, #tpu.memory_space<hbm>>, %arg3: memref<320000xi32, #tpu.memory_space<hbm>>, %arg4: memref<320000xi32, #tpu.memory_space<hbm>>, %arg5: memref<2x10240x128xf32, #tpu.memory_space<hbm>>, %arg6: memref<10240x128xf32, #tpu.memory_space<vmem_shared>>, %arg7: memref<80xi32, #tpu.memory_space<vmem>>, %arg8: memref<80xi32, #tpu.memory_space<vmem>>, %arg9: memref<80x128xf32, #tpu.memory_space<vmem>>, %arg10: memref<!tpu.dma_semaphore, #tpu.memory_space<semaphore_mem>>) attributes {dimension_semantics = [#tpu.dimension_semantics<core_parallel>, #tpu.dimension_semantics<subcore_parallel>], iteration_bounds = array<i64: 2, 16>, scalar_prefetch = 0 : i64, scratch_operands = 5 : i64, tpu.core_type = #tpu.core_type<sc_vector_subcore>, window_params = [{transform_indices = #map}, {transform_indices = #map1}, {transform_indices = #map1}, {transform_indices = #map2}]} {
    %mul3A = arith.constant 16 : i32
    %mul3A_0 = arith.muli %arg0, %mul3A : i32
    %add3A = arith.addi %mul3A_0, %arg1 : i32
    %broadcast_in_dim3A = arith.constant 0.000000e+00 : f32
    %broadcast_in_dim3A_1 = vector.broadcast %broadcast_in_dim3A : f32 to vector<16xf32>
    %broadcast_in_dim3A_2 = arith.constant 1.000000e+00 : f32
    %broadcast_in_dim3A_3 = vector.broadcast %broadcast_in_dim3A_2 : f32 to vector<16xf32>
    %scan3A = arith.constant 0 : i32
    %scan3A_4 = arith.constant 80 : i32
    %scan3A_5 = arith.addi %scan3A, %scan3A_4 : i32
    %scan3A_6 = arith.constant 1 : i32
    scf.for %scan3A_34 = %scan3A to %scan3A_5 step %scan3A_6  : i32 {
      %mul3A_35 = arith.constant 1 : i32
      %mul3A_36 = arith.muli %scan3A_34, %mul3A_35 : i32
      %add3A_37 = arith.constant 0 : i32
      %add3A_38 = arith.addi %add3A_37, %mul3A_36 : i32
      %swap3A = arith.index_cast %add3A_38 : i32 to index
      %swap3A_39 = arith.constant 0 : index
      %swap3A_40 = tpu.vector_load %arg9[%swap3A, %swap3A_39] {strides = array<i32>} : memref<80x128xf32, #tpu.memory_space<vmem>>, vector<1x16xf32>,
      %swap3A_41 = vector.shape_cast %swap3A_40 : vector<1x16xf32> to vector<16xf32>
      %swap3A_42 = vector.shape_cast %broadcast_in_dim3A_1 : vector<16xf32> to vector<1x16xf32>
      tpu.vector_store %arg9[%swap3A, %swap3A_39], %swap3A_42 {strides = array<i32>} : memref<80x128xf32, #tpu.memory_space<vmem>>, vector<1x16xf32>,
      %swap3A_43 = arith.index_cast %add3A_38 : i32 to index
      %swap3A_44 = arith.constant 16 : index
      %swap3A_45 = tpu.vector_load %arg9[%swap3A_43, %swap3A_44] {strides = array<i32>} : memref<80x128xf32, #tpu.memory_space<vmem>>, vector<1x16xf32>,
      %swap3A_46 = vector.shape_cast %swap3A_45 : vector<1x16xf32> to vector<16xf32>
      %swap3A_47 = vector.shape_cast %broadcast_in_dim3A_1 : vector<16xf32> to vector<1x16xf32>
      tpu.vector_store %arg9[%swap3A_43, %swap3A_44], %swap3A_47 {strides = array<i32>} : memref<80x128xf32, #tpu.memory_space<vmem>>, vector<1x16xf32>,
      %swap3A_48 = arith.index_cast %add3A_38 : i32 to index
      %swap3A_49 = arith.constant 32 : index
      %swap3A_50 = tpu.vector_load %arg9[%swap3A_48, %swap3A_49] {strides = array<i32>} : memref<80x128xf32, #tpu.memory_space<vmem>>, vector<1x16xf32>,
      %swap3A_51 = vector.shape_cast %swap3A_50 : vector<1x16xf32> to vector<16xf32>
      %swap3A_52 = vector.shape_cast %broadcast_in_dim3A_1 : vector<16xf32> to vector<1x16xf32>
      tpu.vector_store %arg9[%swap3A_48, %swap3A_49], %swap3A_52 {strides = array<i32>} : memref<80x128xf32, #tpu.memory_space<vmem>>, vector<1x16xf32>,
      %swap3A_53 = arith.index_cast %add3A_38 : i32 to index
      %swap3A_54 = arith.constant 48 : index
      %swap3A_55 = tpu.vector_load %arg9[%swap3A_53, %swap3A_54] {strides = array<i32>} : memref<80x128xf32, #tpu.memory_space<vmem>>, vector<1x16xf32>,
      %swap3A_56 = vector.shape_cast %swap3A_55 : vector<1x16xf32> to vector<16xf32>
      %swap3A_57 = vector.shape_cast %broadcast_in_dim3A_1 : vector<16xf32> to vector<1x16xf32>
      tpu.vector_store %arg9[%swap3A_53, %swap3A_54], %swap3A_57 {strides = array<i32>} : memref<80x128xf32, #tpu.memory_space<vmem>>, vector<1x16xf32>,
      %swap3A_58 = arith.index_cast %add3A_38 : i32 to index
      %swap3A_59 = arith.constant 64 : index
      %swap3A_60 = tpu.vector_load %arg9[%swap3A_58, %swap3A_59] {strides = array<i32>} : memref<80x128xf32, #tpu.memory_space<vmem>>, vector<1x16xf32>,
      %swap3A_61 = vector.shape_cast %swap3A_60 : vector<1x16xf32> to vector<16xf32>
      %swap3A_62 = vector.shape_cast %broadcast_in_dim3A_1 : vector<16xf32> to vector<1x16xf32>
      tpu.vector_store %arg9[%swap3A_58, %swap3A_59], %swap3A_62 {strides = array<i32>} : memref<80x128xf32, #tpu.memory_space<vmem>>, vector<1x16xf32>,
      %swap3A_63 = arith.index_cast %add3A_38 : i32 to index
      %swap3A_64 = arith.constant 80 : index
      %swap3A_65 = tpu.vector_load %arg9[%swap3A_63, %swap3A_64] {strides = array<i32>} : memref<80x128xf32, #tpu.memory_space<vmem>>, vector<1x16xf32>,
      %swap3A_66 = vector.shape_cast %swap3A_65 : vector<1x16xf32> to vector<16xf32>
      %swap3A_67 = vector.shape_cast %broadcast_in_dim3A_1 : vector<16xf32> to vector<1x16xf32>
      tpu.vector_store %arg9[%swap3A_63, %swap3A_64], %swap3A_67 {strides = array<i32>} : memref<80x128xf32, #tpu.memory_space<vmem>>, vector<1x16xf32>,
      %swap3A_68 = arith.index_cast %add3A_38 : i32 to index
      %swap3A_69 = arith.constant 96 : index
      %swap3A_70 = tpu.vector_load %arg9[%swap3A_68, %swap3A_69] {strides = array<i32>} : memref<80x128xf32, #tpu.memory_space<vmem>>, vector<1x16xf32>,
      %swap3A_71 = vector.shape_cast %swap3A_70 : vector<1x16xf32> to vector<16xf32>
      %swap3A_72 = vector.shape_cast %broadcast_in_dim3A_1 : vector<16xf32> to vector<1x16xf32>
      tpu.vector_store %arg9[%swap3A_68, %swap3A_69], %swap3A_72 {strides = array<i32>} : memref<80x128xf32, #tpu.memory_space<vmem>>, vector<1x16xf32>,
      %swap3A_73 = arith.index_cast %add3A_38 : i32 to index
      %swap3A_74 = arith.constant 112 : index
      %swap3A_75 = tpu.vector_load %arg9[%swap3A_73, %swap3A_74] {strides = array<i32>} : memref<80x128xf32, #tpu.memory_space<vmem>>, vector<1x16xf32>,
      %swap3A_76 = vector.shape_cast %swap3A_75 : vector<1x16xf32> to vector<16xf32>
      %swap3A_77 = vector.shape_cast %broadcast_in_dim3A_1 : vector<16xf32> to vector<1x16xf32>
      tpu.vector_store %arg9[%swap3A_73, %swap3A_74], %swap3A_77 {strides = array<i32>} : memref<80x128xf32, #tpu.memory_space<vmem>>, vector<1x16xf32>,
    }
    %scan3A_7 = arith.constant 80 : i32
    %mul3A_8 = arith.constant 640 : i32
    %mul3A_9 = arith.muli %arg1, %mul3A_8 : i32
    %add3A_10 = arith.constant 0 : i32
    %add3A_11 = arith.addi %mul3A_9, %add3A_10 : i32
    "tpu.region"() ({
      %run_scoped3A = tpu.sem_alloc : memref<!tpu.dma_semaphore, #tpu.memory_space<semaphore_mem>>
      %dma_start3A = arith.constant 0 : i32
      %dma_start3A_34 = tpu.memref_slice %arg6[%add3A_11, %dma_start3A] : memref<10240x128xf32, #tpu.memory_space<vmem_shared>> -> memref<80x128xf32, #tpu.memory_space<vmem_shared>>
      %dma_start3A_35 = arith.constant 0 : i32
      %dma_start3A_36 = tpu.memref_slice %arg6[%add3A_11, %dma_start3A_35] : memref<10240x128xf32, #tpu.memory_space<vmem_shared>> -> memref<80x128xf32, #tpu.memory_space<vmem_shared>>
      tpu.enqueue_dma source(%arg9 : memref<80x128xf32, #tpu.memory_space<vmem>>) target(%dma_start3A_36 : memref<80x128xf32, #tpu.memory_space<vmem_shared>>) target_semaphore(%run_scoped3A : memref<!tpu.dma_semaphore, #tpu.memory_space<semaphore_mem>>)
      %dma_wait3A = arith.constant 0 : i32
      %dma_wait3A_37 = tpu.memref_slice %arg6[%add3A_11, %dma_wait3A] : memref<10240x128xf32, #tpu.memory_space<vmem_shared>> -> memref<80x128xf32, #tpu.memory_space<vmem_shared>>
      %dma_wait3A_38 = arith.constant 0 : i32
      %dma_wait3A_39 = tpu.memref_slice %arg6[%add3A_11, %dma_wait3A_38] : memref<10240x128xf32, #tpu.memory_space<vmem_shared>> -> memref<80x128xf32, #tpu.memory_space<vmem_shared>>
      tpu.wait_dma2 semaphore(%run_scoped3A : memref<!tpu.dma_semaphore, #tpu.memory_space<semaphore_mem>>) src(%arg9 : memref<80x128xf32, #tpu.memory_space<vmem>>) dst(%dma_wait3A_39 : memref<80x128xf32, #tpu.memory_space<vmem_shared>>)
      tpu.yield
    }) : () -> ()
    %add3A_12 = arith.constant 80 : i32
    %add3A_13 = arith.addi %mul3A_9, %add3A_12 : i32
    "tpu.region"() ({
      %run_scoped3A = tpu.sem_alloc : memref<!tpu.dma_semaphore, #tpu.memory_space<semaphore_mem>>
      %dma_start3A = arith.constant 0 : i32
      %dma_start3A_34 = tpu.memref_slice %arg6[%add3A_13, %dma_start3A] : memref<10240x128xf32, #tpu.memory_space<vmem_shared>> -> memref<80x128xf32, #tpu.memory_space<vmem_shared>>
      %dma_start3A_35 = arith.constant 0 : i32
      %dma_start3A_36 = tpu.memref_slice %arg6[%add3A_13, %dma_start3A_35] : memref<10240x128xf32, #tpu.memory_space<vmem_shared>> -> memref<80x128xf32, #tpu.memory_space<vmem_shared>>
      tpu.enqueue_dma source(%arg9 : memref<80x128xf32, #tpu.memory_space<vmem>>) target(%dma_start3A_36 : memref<80x128xf32, #tpu.memory_space<vmem_shared>>) target_semaphore(%run_scoped3A : memref<!tpu.dma_semaphore, #tpu.memory_space<semaphore_mem>>)
      %dma_wait3A = arith.constant 0 : i32
      %dma_wait3A_37 = tpu.memref_slice %arg6[%add3A_13, %dma_wait3A] : memref<10240x128xf32, #tpu.memory_space<vmem_shared>> -> memref<80x128xf32, #tpu.memory_space<vmem_shared>>
      %dma_wait3A_38 = arith.constant 0 : i32
      %dma_wait3A_39 = tpu.memref_slice %arg6[%add3A_13, %dma_wait3A_38] : memref<10240x128xf32, #tpu.memory_space<vmem_shared>> -> memref<80x128xf32, #tpu.memory_space<vmem_shared>>
      tpu.wait_dma2 semaphore(%run_scoped3A : memref<!tpu.dma_semaphore, #tpu.memory_space<semaphore_mem>>) src(%arg9 : memref<80x128xf32, #tpu.memory_space<vmem>>) dst(%dma_wait3A_39 : memref<80x128xf32, #tpu.memory_space<vmem_shared>>)
      tpu.yield
    }) : () -> ()
    %add3A_14 = arith.constant 160 : i32
    %add3A_15 = arith.addi %mul3A_9, %add3A_14 : i32
    "tpu.region"() ({
      %run_scoped3A = tpu.sem_alloc : memref<!tpu.dma_semaphore, #tpu.memory_space<semaphore_mem>>
      %dma_start3A = arith.constant 0 : i32
      %dma_start3A_34 = tpu.memref_slice %arg6[%add3A_15, %dma_start3A] : memref<10240x128xf32, #tpu.memory_space<vmem_shared>> -> memref<80x128xf32, #tpu.memory_space<vmem_shared>>
      %dma_start3A_35 = arith.constant 0 : i32
      %dma_start3A_36 = tpu.memref_slice %arg6[%add3A_15, %dma_start3A_35] : memref<10240x128xf32, #tpu.memory_space<vmem_shared>> -> memref<80x128xf32, #tpu.memory_space<vmem_shared>>
      tpu.enqueue_dma source(%arg9 : memref<80x128xf32, #tpu.memory_space<vmem>>) target(%dma_start3A_36 : memref<80x128xf32, #tpu.memory_space<vmem_shared>>) target_semaphore(%run_scoped3A : memref<!tpu.dma_semaphore, #tpu.memory_space<semaphore_mem>>)
      %dma_wait3A = arith.constant 0 : i32
      %dma_wait3A_37 = tpu.memref_slice %arg6[%add3A_15, %dma_wait3A] : memref<10240x128xf32, #tpu.memory_space<vmem_shared>> -> memref<80x128xf32, #tpu.memory_space<vmem_shared>>
      %dma_wait3A_38 = arith.constant 0 : i32
      %dma_wait3A_39 = tpu.memref_slice %arg6[%add3A_15, %dma_wait3A_38] : memref<10240x128xf32, #tpu.memory_space<vmem_shared>> -> memref<80x128xf32, #tpu.memory_space<vmem_shared>>
      tpu.wait_dma2 semaphore(%run_scoped3A : memref<!tpu.dma_semaphore, #tpu.memory_space<semaphore_mem>>) src(%arg9 : memref<80x128xf32, #tpu.memory_space<vmem>>) dst(%dma_wait3A_39 : memref<80x128xf32, #tpu.memory_space<vmem_shared>>)
      tpu.yield
    }) : () -> ()
    %add3A_16 = arith.constant 240 : i32
    %add3A_17 = arith.addi %mul3A_9, %add3A_16 : i32
    "tpu.region"() ({
      %run_scoped3A = tpu.sem_alloc : memref<!tpu.dma_semaphore, #tpu.memory_space<semaphore_mem>>
      %dma_start3A = arith.constant 0 : i32
      %dma_start3A_34 = tpu.memref_slice %arg6[%add3A_17, %dma_start3A] : memref<10240x128xf32, #tpu.memory_space<vmem_shared>> -> memref<80x128xf32, #tpu.memory_space<vmem_shared>>
      %dma_start3A_35 = arith.constant 0 : i32
      %dma_start3A_36 = tpu.memref_slice %arg6[%add3A_17, %dma_start3A_35] : memref<10240x128xf32, #tpu.memory_space<vmem_shared>> -> memref<80x128xf32, #tpu.memory_space<vmem_shared>>
      tpu.enqueue_dma source(%arg9 : memref<80x128xf32, #tpu.memory_space<vmem>>) target(%dma_start3A_36 : memref<80x128xf32, #tpu.memory_space<vmem_shared>>) target_semaphore(%run_scoped3A : memref<!tpu.dma_semaphore, #tpu.memory_space<semaphore_mem>>)
      %dma_wait3A = arith.constant 0 : i32
      %dma_wait3A_37 = tpu.memref_slice %arg6[%add3A_17, %dma_wait3A] : memref<10240x128xf32, #tpu.memory_space<vmem_shared>> -> memref<80x128xf32, #tpu.memory_space<vmem_shared>>
      %dma_wait3A_38 = arith.constant 0 : i32
      %dma_wait3A_39 = tpu.memref_slice %arg6[%add3A_17, %dma_wait3A_38] : memref<10240x128xf32, #tpu.memory_space<vmem_shared>> -> memref<80x128xf32, #tpu.memory_space<vmem_shared>>
      tpu.wait_dma2 semaphore(%run_scoped3A : memref<!tpu.dma_semaphore, #tpu.memory_space<semaphore_mem>>) src(%arg9 : memref<80x128xf32, #tpu.memory_space<vmem>>) dst(%dma_wait3A_39 : memref<80x128xf32, #tpu.memory_space<vmem_shared>>)
      tpu.yield
    }) : () -> ()
    %add3A_18 = arith.constant 320 : i32
    %add3A_19 = arith.addi %mul3A_9, %add3A_18 : i32
    "tpu.region"() ({
      %run_scoped3A = tpu.sem_alloc : memref<!tpu.dma_semaphore, #tpu.memory_space<semaphore_mem>>
      %dma_start3A = arith.constant 0 : i32
      %dma_start3A_34 = tpu.memref_slice %arg6[%add3A_19, %dma_start3A] : memref<10240x128xf32, #tpu.memory_space<vmem_shared>> -> memref<80x128xf32, #tpu.memory_space<vmem_shared>>
      %dma_start3A_35 = arith.constant 0 : i32
      %dma_start3A_36 = tpu.memref_slice %arg6[%add3A_19, %dma_start3A_35] : memref<10240x128xf32, #tpu.memory_space<vmem_shared>> -> memref<80x128xf32, #tpu.memory_space<vmem_shared>>
      tpu.enqueue_dma source(%arg9 : memref<80x128xf32, #tpu.memory_space<vmem>>) target(%dma_start3A_36 : memref<80x128xf32, #tpu.memory_space<vmem_shared>>) target_semaphore(%run_scoped3A : memref<!tpu.dma_semaphore, #tpu.memory_space<semaphore_mem>>)
      %dma_wait3A = arith.constant 0 : i32
      %dma_wait3A_37 = tpu.memref_slice %arg6[%add3A_19, %dma_wait3A] : memref<10240x128xf32, #tpu.memory_space<vmem_shared>> -> memref<80x128xf32, #tpu.memory_space<vmem_shared>>
      %dma_wait3A_38 = arith.constant 0 : i32
      %dma_wait3A_39 = tpu.memref_slice %arg6[%add3A_19, %dma_wait3A_38] : memref<10240x128xf32, #tpu.memory_space<vmem_shared>> -> memref<80x128xf32, #tpu.memory_space<vmem_shared>>
      tpu.wait_dma2 semaphore(%run_scoped3A : memref<!tpu.dma_semaphore, #tpu.memory_space<semaphore_mem>>) src(%arg9 : memref<80x128xf32, #tpu.memory_space<vmem>>) dst(%dma_wait3A_39 : memref<80x128xf32, #tpu.memory_space<vmem_shared>>)
      tpu.yield
    }) : () -> ()
    %add3A_20 = arith.constant 400 : i32
    %add3A_21 = arith.addi %mul3A_9, %add3A_20 : i32
    "tpu.region"() ({
      %run_scoped3A = tpu.sem_alloc : memref<!tpu.dma_semaphore, #tpu.memory_space<semaphore_mem>>
      %dma_start3A = arith.constant 0 : i32
      %dma_start3A_34 = tpu.memref_slice %arg6[%add3A_21, %dma_start3A] : memref<10240x128xf32, #tpu.memory_space<vmem_shared>> -> memref<80x128xf32, #tpu.memory_space<vmem_shared>>
      %dma_start3A_35 = arith.constant 0 : i32
      %dma_start3A_36 = tpu.memref_slice %arg6[%add3A_21, %dma_start3A_35] : memref<10240x128xf32, #tpu.memory_space<vmem_shared>> -> memref<80x128xf32, #tpu.memory_space<vmem_shared>>
      tpu.enqueue_dma source(%arg9 : memref<80x128xf32, #tpu.memory_space<vmem>>) target(%dma_start3A_36 : memref<80x128xf32, #tpu.memory_space<vmem_shared>>) target_semaphore(%run_scoped3A : memref<!tpu.dma_semaphore, #tpu.memory_space<semaphore_mem>>)
      %dma_wait3A = arith.constant 0 : i32
      %dma_wait3A_37 = tpu.memref_slice %arg6[%add3A_21, %dma_wait3A] : memref<10240x128xf32, #tpu.memory_space<vmem_shared>> -> memref<80x128xf32, #tpu.memory_space<vmem_shared>>
      %dma_wait3A_38 = arith.constant 0 : i32
      %dma_wait3A_39 = tpu.memref_slice %arg6[%add3A_21, %dma_wait3A_38] : memref<10240x128xf32, #tpu.memory_space<vmem_shared>> -> memref<80x128xf32, #tpu.memory_space<vmem_shared>>
      tpu.wait_dma2 semaphore(%run_scoped3A : memref<!tpu.dma_semaphore, #tpu.memory_space<semaphore_mem>>) src(%arg9 : memref<80x128xf32, #tpu.memory_space<vmem>>) dst(%dma_wait3A_39 : memref<80x128xf32, #tpu.memory_space<vmem_shared>>)
      tpu.yield
    }) : () -> ()
    %add3A_22 = arith.constant 480 : i32
    %add3A_23 = arith.addi %mul3A_9, %add3A_22 : i32
    "tpu.region"() ({
      %run_scoped3A = tpu.sem_alloc : memref<!tpu.dma_semaphore, #tpu.memory_space<semaphore_mem>>
      %dma_start3A = arith.constant 0 : i32
      %dma_start3A_34 = tpu.memref_slice %arg6[%add3A_23, %dma_start3A] : memref<10240x128xf32, #tpu.memory_space<vmem_shared>> -> memref<80x128xf32, #tpu.memory_space<vmem_shared>>
      %dma_start3A_35 = arith.constant 0 : i32
      %dma_start3A_36 = tpu.memref_slice %arg6[%add3A_23, %dma_start3A_35] : memref<10240x128xf32, #tpu.memory_space<vmem_shared>> -> memref<80x128xf32, #tpu.memory_space<vmem_shared>>
      tpu.enqueue_dma source(%arg9 : memref<80x128xf32, #tpu.memory_space<vmem>>) target(%dma_start3A_36 : memref<80x128xf32, #tpu.memory_space<vmem_shared>>) target_semaphore(%run_scoped3A : memref<!tpu.dma_semaphore, #tpu.memory_space<semaphore_mem>>)
      %dma_wait3A = arith.constant 0 : i32
      %dma_wait3A_37 = tpu.memref_slice %arg6[%add3A_23, %dma_wait3A] : memref<10240x128xf32, #tpu.memory_space<vmem_shared>> -> memref<80x128xf32, #tpu.memory_space<vmem_shared>>
      %dma_wait3A_38 = arith.constant 0 : i32
      %dma_wait3A_39 = tpu.memref_slice %arg6[%add3A_23, %dma_wait3A_38] : memref<10240x128xf32, #tpu.memory_space<vmem_shared>> -> memref<80x128xf32, #tpu.memory_space<vmem_shared>>
      tpu.wait_dma2 semaphore(%run_scoped3A : memref<!tpu.dma_semaphore, #tpu.memory_space<semaphore_mem>>) src(%arg9 : memref<80x128xf32, #tpu.memory_space<vmem>>) dst(%dma_wait3A_39 : memref<80x128xf32, #tpu.memory_space<vmem_shared>>)
      tpu.yield
    }) : () -> ()
    %add3A_24 = arith.constant 560 : i32
    %add3A_25 = arith.addi %mul3A_9, %add3A_24 : i32
    "tpu.region"() ({
      %run_scoped3A = tpu.sem_alloc : memref<!tpu.dma_semaphore, #tpu.memory_space<semaphore_mem>>
      %dma_start3A = arith.constant 0 : i32
      %dma_start3A_34 = tpu.memref_slice %arg6[%add3A_25, %dma_start3A] : memref<10240x128xf32, #tpu.memory_space<vmem_shared>> -> memref<80x128xf32, #tpu.memory_space<vmem_shared>>
      %dma_start3A_35 = arith.constant 0 : i32
      %dma_start3A_36 = tpu.memref_slice %arg6[%add3A_25, %dma_start3A_35] : memref<10240x128xf32, #tpu.memory_space<vmem_shared>> -> memref<80x128xf32, #tpu.memory_space<vmem_shared>>
      tpu.enqueue_dma source(%arg9 : memref<80x128xf32, #tpu.memory_space<vmem>>) target(%dma_start3A_36 : memref<80x128xf32, #tpu.memory_space<vmem_shared>>) target_semaphore(%run_scoped3A : memref<!tpu.dma_semaphore, #tpu.memory_space<semaphore_mem>>)
      %dma_wait3A = arith.constant 0 : i32
      %dma_wait3A_37 = tpu.memref_slice %arg6[%add3A_25, %dma_wait3A] : memref<10240x128xf32, #tpu.memory_space<vmem_shared>> -> memref<80x128xf32, #tpu.memory_space<vmem_shared>>
      %dma_wait3A_38 = arith.constant 0 : i32
      %dma_wait3A_39 = tpu.memref_slice %arg6[%add3A_25, %dma_wait3A_38] : memref<10240x128xf32, #tpu.memory_space<vmem_shared>> -> memref<80x128xf32, #tpu.memory_space<vmem_shared>>
      tpu.wait_dma2 semaphore(%run_scoped3A : memref<!tpu.dma_semaphore, #tpu.memory_space<semaphore_mem>>) src(%arg9 : memref<80x128xf32, #tpu.memory_space<vmem>>) dst(%dma_wait3A_39 : memref<80x128xf32, #tpu.memory_space<vmem_shared>>)
      tpu.yield
    }) : () -> ()
    %barrier3A = arith.constant 0 : index
    tpu.barrier barrier_id(%barrier3A)
    %mul3A_26 = arith.constant 10000 : i32
    %mul3A_27 = arith.muli %add3A, %mul3A_26 : i32
    %scan3A_28 = arith.constant 0 : i32
    %scan3A_29 = arith.constant 125 : i32
    %scan3A_30 = arith.addi %scan3A_28, %scan3A_29 : i32
    %scan3A_31 = arith.constant 1 : i32
    scf.for %scan3A_34 = %scan3A_28 to %scan3A_30 step %scan3A_31  : i32 {
      %mul3A_35 = arith.constant 1 : i32
      %mul3A_36 = arith.muli %scan3A_34, %mul3A_35 : i32
      %add3A_37 = arith.constant 0 : i32
      %add3A_38 = arith.addi %add3A_37, %mul3A_36 : i32
      %mul3A_39 = arith.constant 80 : i32
      %mul3A_40 = arith.muli %add3A_38, %mul3A_39 : i32
      %add3A_41 = arith.addi %mul3A_27, %mul3A_40 : i32
      %multiple_of3A = tpu.assume_multiple %add3A_41, 8 : i32
      "tpu.region"() ({
        %run_scoped3A = tpu.sem_alloc : memref<!tpu.dma_semaphore, #tpu.memory_space<semaphore_mem>>
        %dma_start3A_46 = tpu.memref_slice %arg3[%multiple_of3A] : memref<320000xi32, #tpu.memory_space<hbm>> -> memref<80xi32, #tpu.memory_space<hbm>>
        %dma_start3A_47 = tpu.memref_slice %arg3[%multiple_of3A] : memref<320000xi32, #tpu.memory_space<hbm>> -> memref<80xi32, #tpu.memory_space<hbm>>
        tpu.enqueue_dma source(%dma_start3A_47 : memref<80xi32, #tpu.memory_space<hbm>>) target(%arg7 : memref<80xi32, #tpu.memory_space<vmem>>) target_semaphore(%run_scoped3A : memref<!tpu.dma_semaphore, #tpu.memory_space<semaphore_mem>>)
        %dma_wait3A_48 = tpu.memref_slice %arg3[%multiple_of3A] : memref<320000xi32, #tpu.memory_space<hbm>> -> memref<80xi32, #tpu.memory_space<hbm>>
        %dma_wait3A_49 = tpu.memref_slice %arg3[%multiple_of3A] : memref<320000xi32, #tpu.memory_space<hbm>> -> memref<80xi32, #tpu.memory_space<hbm>>
        tpu.wait_dma2 semaphore(%run_scoped3A : memref<!tpu.dma_semaphore, #tpu.memory_space<semaphore_mem>>) src(%dma_wait3A_49 : memref<80xi32, #tpu.memory_space<hbm>>) dst(%arg7 : memref<80xi32, #tpu.memory_space<vmem>>)
        tpu.yield
      }) : () -> ()
      "tpu.region"() ({
        %run_scoped3A = tpu.sem_alloc : memref<!tpu.dma_semaphore, #tpu.memory_space<semaphore_mem>>
        %dma_start3A_46 = tpu.memref_slice %arg4[%multiple_of3A] : memref<320000xi32, #tpu.memory_space<hbm>> -> memref<80xi32, #tpu.memory_space<hbm>>
        %dma_start3A_47 = tpu.memref_slice %arg4[%multiple_of3A] : memref<320000xi32, #tpu.memory_space<hbm>> -> memref<80xi32, #tpu.memory_space<hbm>>
        tpu.enqueue_dma source(%dma_start3A_47 : memref<80xi32, #tpu.memory_space<hbm>>) target(%arg8 : memref<80xi32, #tpu.memory_space<vmem>>) target_semaphore(%run_scoped3A : memref<!tpu.dma_semaphore, #tpu.memory_space<semaphore_mem>>)
        %dma_wait3A_48 = tpu.memref_slice %arg4[%multiple_of3A] : memref<320000xi32, #tpu.memory_space<hbm>> -> memref<80xi32, #tpu.memory_space<hbm>>
        %dma_wait3A_49 = tpu.memref_slice %arg4[%multiple_of3A] : memref<320000xi32, #tpu.memory_space<hbm>> -> memref<80xi32, #tpu.memory_space<hbm>>
        tpu.wait_dma2 semaphore(%run_scoped3A : memref<!tpu.dma_semaphore, #tpu.memory_space<semaphore_mem>>) src(%dma_wait3A_49 : memref<80xi32, #tpu.memory_space<hbm>>) dst(%arg8 : memref<80xi32, #tpu.memory_space<vmem>>)
        tpu.yield
      }) : () -> ()
      %dma_start3A = arith.constant 0 : i32
      %dma_start3A_42 = arith.constant 0 : i32
      %dma_start3A_43 = tpu.memref_slice %arg2[%dma_start3A, %dma_start3A_42] : memref<10000x128xf32, #tpu.memory_space<hbm>> -> memref<10000x128xf32, #tpu.memory_space<hbm>>
      tpu.enqueue_indirect_dma source(%dma_start3A_43 : memref<10000x128xf32, #tpu.memory_space<hbm>>) target(%arg9 : memref<80x128xf32, #tpu.memory_space<vmem>>) offsets(%arg7 : memref<80xi32, #tpu.memory_space<vmem>>) semaphore(%arg10 : memref<!tpu.dma_semaphore, #tpu.memory_space<semaphore_mem>>)
      %dma_wait3A = arith.constant 0 : i32
      %dma_wait3A_44 = arith.constant 0 : i32
      %dma_wait3A_45 = tpu.memref_slice %arg2[%dma_wait3A, %dma_wait3A_44] : memref<10000x128xf32, #tpu.memory_space<hbm>> -> memref<10000x128xf32, #tpu.memory_space<hbm>>
      tpu.wait_indirect_dma semaphore(%arg10 : memref<!tpu.dma_semaphore, #tpu.memory_space<semaphore_mem>>) src(%dma_wait3A_45 : memref<10000x128xf32, #tpu.memory_space<hbm>>) dst(%arg9 : memref<80x128xf32, #tpu.memory_space<vmem>>)
      "tpu.region"() ({
        %run_scoped3A = tpu.sem_alloc : memref<!tpu.dma_semaphore, #tpu.memory_space<semaphore_mem>>
        %dma_start3A_46 = arith.constant 0 : i32
        %dma_start3A_47 = arith.constant 0 : i32
        %dma_start3A_48 = tpu.memref_slice %arg6[%dma_start3A_46, %dma_start3A_47] : memref<10240x128xf32, #tpu.memory_space<vmem_shared>> -> memref<10240x128xf32, #tpu.memory_space<vmem_shared>>
        tpu.enqueue_indirect_dma source(%arg9 : memref<80x128xf32, #tpu.memory_space<vmem>>) target(%dma_start3A_48 : memref<10240x128xf32, #tpu.memory_space<vmem_shared>>) offsets(%arg8 : memref<80xi32, #tpu.memory_space<vmem>>) semaphore(%run_scoped3A : memref<!tpu.dma_semaphore, #tpu.memory_space<semaphore_mem>>) {add = true}
        %dma_wait3A_49 = arith.constant 0 : i32
        %dma_wait3A_50 = arith.constant 0 : i32
        %dma_wait3A_51 = tpu.memref_slice %arg6[%dma_wait3A_49, %dma_wait3A_50] : memref<10240x128xf32, #tpu.memory_space<vmem_shared>> -> memref<10240x128xf32, #tpu.memory_space<vmem_shared>>
        tpu.wait_indirect_dma semaphore(%run_scoped3A : memref<!tpu.dma_semaphore, #tpu.memory_space<semaphore_mem>>) src(%arg9 : memref<80x128xf32, #tpu.memory_space<vmem>>) dst(%dma_wait3A_51 : memref<10240x128xf32, #tpu.memory_space<vmem_shared>>)
        tpu.yield
      }) : () -> ()
    }
    %scan3A_32 = arith.constant 125 : i32
    %barrier3A_33 = arith.constant 0 : index
    tpu.barrier barrier_id(%barrier3A_33)
    "tpu.region"() ({
      %run_scoped3A = tpu.sem_alloc : memref<!tpu.dma_semaphore, #tpu.memory_space<semaphore_mem>>
      %dma_start3A = arith.constant 0 : i32
      %dma_start3A_34 = tpu.memref_slice %arg5[%arg0, %mul3A_9, %dma_start3A] : memref<2x10240x128xf32, #tpu.memory_space<hbm>> -> memref<1x640x128xf32, #tpu.memory_space<hbm>>
      %dma_start3A_35 = tpu.memref_squeeze %dma_start3A_34 : memref<1x640x128xf32, #tpu.memory_space<hbm>> -> memref<640x128xf32, #tpu.memory_space<hbm>>
      %dma_start3A_36 = arith.constant 0 : i32
      %dma_start3A_37 = tpu.memref_slice %arg6[%mul3A_9, %dma_start3A_36] : memref<10240x128xf32, #tpu.memory_space<vmem_shared>> -> memref<640x128xf32, #tpu.memory_space<vmem_shared>>
      tpu.enqueue_dma source(%dma_start3A_37 : memref<640x128xf32, #tpu.memory_space<vmem_shared>>) target(%dma_start3A_35 : memref<640x128xf32, #tpu.memory_space<hbm>>) target_semaphore(%run_scoped3A : memref<!tpu.dma_semaphore, #tpu.memory_space<semaphore_mem>>)
      %dma_wait3A = arith.constant 0 : i32
      %dma_wait3A_38 = tpu.memref_slice %arg5[%arg0, %mul3A_9, %dma_wait3A] : memref<2x10240x128xf32, #tpu.memory_space<hbm>> -> memref<1x640x128xf32, #tpu.memory_space<hbm>>
      %dma_wait3A_39 = tpu.memref_squeeze %dma_wait3A_38 : memref<1x640x128xf32, #tpu.memory_space<hbm>> -> memref<640x128xf32, #tpu.memory_space<hbm>>
      %dma_wait3A_40 = arith.constant 0 : i32
      %dma_wait3A_41 = tpu.memref_slice %arg6[%mul3A_9, %dma_wait3A_40] : memref<10240x128xf32, #tpu.memory_space<vmem_shared>> -> memref<640x128xf32, #tpu.memory_space<vmem_shared>>
      tpu.wait_dma2 semaphore(%run_scoped3A : memref<!tpu.dma_semaphore, #tpu.memory_space<semaphore_mem>>) src(%dma_wait3A_41 : memref<640x128xf32, #tpu.memory_space<vmem_shared>>) dst(%dma_wait3A_39 : memref<640x128xf32, #tpu.memory_space<hbm>>)
      tpu.yield
    }) : () -> ()
    return
  }
}

#map = affine_map<(d0, d1) -> (0, 0)>
#map1 = affine_map<(d0, d1) -> (0)>
#map2 = affine_map<(d0, d1) -> (0, 0, 0)>
module attributes {stable_mosaic.version = 14 : i64} {
  func.func @body(%arg0: i32, %arg1: i32, %arg2: memref<10000x128xf32, #tpu.memory_space<hbm>>, %arg3: memref<320000xi32, #tpu.memory_space<hbm>>, %arg4: memref<320000xi32, #tpu.memory_space<hbm>>, %arg5: memref<2x10240x128xf32, #tpu.memory_space<hbm>>, %arg6: memref<2x10240xf32, #tpu.memory_space<hbm>>, %arg7: memref<10240x128xf32, #tpu.memory_space<vmem_shared>>, %arg8: memref<80xi32, #tpu.memory_space<vmem>>, %arg9: memref<80xi32, #tpu.memory_space<vmem>>, %arg10: memref<80x128xf32, #tpu.memory_space<vmem>>, %arg11: memref<!tpu.dma_semaphore, #tpu.memory_space<semaphore_mem>>, %arg12: memref<10240xf32, #tpu.memory_space<vmem_shared>>, %arg13: memref<80xf32, #tpu.memory_space<vmem>>, %arg14: memref<640xf32, #tpu.memory_space<vmem>>) attributes {dimension_semantics = [#tpu.dimension_semantics<core_parallel>, #tpu.dimension_semantics<subcore_parallel>], iteration_bounds = array<i64: 2, 16>, scalar_prefetch = 0 : i64, scratch_operands = 8 : i64, tpu.core_type = #tpu.core_type<sc_vector_subcore>, window_params = [{transform_indices = #map}, {transform_indices = #map1}, {transform_indices = #map1}, {transform_indices = #map2}, {transform_indices = #map}]} {
    %mul3A = arith.constant 16 : i32
    %mul3A_0 = arith.muli %arg0, %mul3A : i32
    %add3A = arith.addi %mul3A_0, %arg1 : i32
    %broadcast_in_dim3A = arith.constant 0.000000e+00 : f32
    %broadcast_in_dim3A_1 = vector.broadcast %broadcast_in_dim3A : f32 to vector<16xf32>
    %broadcast_in_dim3A_2 = arith.constant 1.000000e+00 : f32
    %broadcast_in_dim3A_3 = vector.broadcast %broadcast_in_dim3A_2 : f32 to vector<16xf32>
    %scan3A = arith.constant 0 : i32
    %scan3A_4 = arith.constant 80 : i32
    %scan3A_5 = arith.addi %scan3A, %scan3A_4 : i32
    %scan3A_6 = arith.constant 1 : i32
    scf.for %scan3A_44 = %scan3A to %scan3A_5 step %scan3A_6  : i32 {
      %mul3A_45 = arith.constant 1 : i32
      %mul3A_46 = arith.muli %scan3A_44, %mul3A_45 : i32
      %add3A_47 = arith.constant 0 : i32
      %add3A_48 = arith.addi %add3A_47, %mul3A_46 : i32
      %swap3A = arith.index_cast %add3A_48 : i32 to index
      %swap3A_49 = arith.constant 0 : index
      %swap3A_50 = tpu.vector_load %arg10[%swap3A, %swap3A_49] {strides = array<i32>} : memref<80x128xf32, #tpu.memory_space<vmem>>, vector<1x16xf32>,
      %swap3A_51 = vector.shape_cast %swap3A_50 : vector<1x16xf32> to vector<16xf32>
      %swap3A_52 = vector.shape_cast %broadcast_in_dim3A_1 : vector<16xf32> to vector<1x16xf32>
      tpu.vector_store %arg10[%swap3A, %swap3A_49], %swap3A_52 {strides = array<i32>} : memref<80x128xf32, #tpu.memory_space<vmem>>, vector<1x16xf32>,
      %swap3A_53 = arith.index_cast %add3A_48 : i32 to index
      %swap3A_54 = arith.constant 16 : index
      %swap3A_55 = tpu.vector_load %arg10[%swap3A_53, %swap3A_54] {strides = array<i32>} : memref<80x128xf32, #tpu.memory_space<vmem>>, vector<1x16xf32>,
      %swap3A_56 = vector.shape_cast %swap3A_55 : vector<1x16xf32> to vector<16xf32>
      %swap3A_57 = vector.shape_cast %broadcast_in_dim3A_1 : vector<16xf32> to vector<1x16xf32>
      tpu.vector_store %arg10[%swap3A_53, %swap3A_54], %swap3A_57 {strides = array<i32>} : memref<80x128xf32, #tpu.memory_space<vmem>>, vector<1x16xf32>,
      %swap3A_58 = arith.index_cast %add3A_48 : i32 to index
      %swap3A_59 = arith.constant 32 : index
      %swap3A_60 = tpu.vector_load %arg10[%swap3A_58, %swap3A_59] {strides = array<i32>} : memref<80x128xf32, #tpu.memory_space<vmem>>, vector<1x16xf32>,
      %swap3A_61 = vector.shape_cast %swap3A_60 : vector<1x16xf32> to vector<16xf32>
      %swap3A_62 = vector.shape_cast %broadcast_in_dim3A_1 : vector<16xf32> to vector<1x16xf32>
      tpu.vector_store %arg10[%swap3A_58, %swap3A_59], %swap3A_62 {strides = array<i32>} : memref<80x128xf32, #tpu.memory_space<vmem>>, vector<1x16xf32>,
      %swap3A_63 = arith.index_cast %add3A_48 : i32 to index
      %swap3A_64 = arith.constant 48 : index
      %swap3A_65 = tpu.vector_load %arg10[%swap3A_63, %swap3A_64] {strides = array<i32>} : memref<80x128xf32, #tpu.memory_space<vmem>>, vector<1x16xf32>,
      %swap3A_66 = vector.shape_cast %swap3A_65 : vector<1x16xf32> to vector<16xf32>
      %swap3A_67 = vector.shape_cast %broadcast_in_dim3A_1 : vector<16xf32> to vector<1x16xf32>
      tpu.vector_store %arg10[%swap3A_63, %swap3A_64], %swap3A_67 {strides = array<i32>} : memref<80x128xf32, #tpu.memory_space<vmem>>, vector<1x16xf32>,
      %swap3A_68 = arith.index_cast %add3A_48 : i32 to index
      %swap3A_69 = arith.constant 64 : index
      %swap3A_70 = tpu.vector_load %arg10[%swap3A_68, %swap3A_69] {strides = array<i32>} : memref<80x128xf32, #tpu.memory_space<vmem>>, vector<1x16xf32>,
      %swap3A_71 = vector.shape_cast %swap3A_70 : vector<1x16xf32> to vector<16xf32>
      %swap3A_72 = vector.shape_cast %broadcast_in_dim3A_1 : vector<16xf32> to vector<1x16xf32>
      tpu.vector_store %arg10[%swap3A_68, %swap3A_69], %swap3A_72 {strides = array<i32>} : memref<80x128xf32, #tpu.memory_space<vmem>>, vector<1x16xf32>,
      %swap3A_73 = arith.index_cast %add3A_48 : i32 to index
      %swap3A_74 = arith.constant 80 : index
      %swap3A_75 = tpu.vector_load %arg10[%swap3A_73, %swap3A_74] {strides = array<i32>} : memref<80x128xf32, #tpu.memory_space<vmem>>, vector<1x16xf32>,
      %swap3A_76 = vector.shape_cast %swap3A_75 : vector<1x16xf32> to vector<16xf32>
      %swap3A_77 = vector.shape_cast %broadcast_in_dim3A_1 : vector<16xf32> to vector<1x16xf32>
      tpu.vector_store %arg10[%swap3A_73, %swap3A_74], %swap3A_77 {strides = array<i32>} : memref<80x128xf32, #tpu.memory_space<vmem>>, vector<1x16xf32>,
      %swap3A_78 = arith.index_cast %add3A_48 : i32 to index
      %swap3A_79 = arith.constant 96 : index
      %swap3A_80 = tpu.vector_load %arg10[%swap3A_78, %swap3A_79] {strides = array<i32>} : memref<80x128xf32, #tpu.memory_space<vmem>>, vector<1x16xf32>,
      %swap3A_81 = vector.shape_cast %swap3A_80 : vector<1x16xf32> to vector<16xf32>
      %swap3A_82 = vector.shape_cast %broadcast_in_dim3A_1 : vector<16xf32> to vector<1x16xf32>
      tpu.vector_store %arg10[%swap3A_78, %swap3A_79], %swap3A_82 {strides = array<i32>} : memref<80x128xf32, #tpu.memory_space<vmem>>, vector<1x16xf32>,
      %swap3A_83 = arith.index_cast %add3A_48 : i32 to index
      %swap3A_84 = arith.constant 112 : index
      %swap3A_85 = tpu.vector_load %arg10[%swap3A_83, %swap3A_84] {strides = array<i32>} : memref<80x128xf32, #tpu.memory_space<vmem>>, vector<1x16xf32>,
      %swap3A_86 = vector.shape_cast %swap3A_85 : vector<1x16xf32> to vector<16xf32>
      %swap3A_87 = vector.shape_cast %broadcast_in_dim3A_1 : vector<16xf32> to vector<1x16xf32>
      tpu.vector_store %arg10[%swap3A_83, %swap3A_84], %swap3A_87 {strides = array<i32>} : memref<80x128xf32, #tpu.memory_space<vmem>>, vector<1x16xf32>,
    }
    %scan3A_7 = arith.constant 80 : i32
    %mul3A_8 = arith.constant 640 : i32
    %mul3A_9 = arith.muli %arg1, %mul3A_8 : i32
    %scan3A_10 = arith.constant 0 : i32
    %scan3A_11 = arith.constant 40 : i32
    %scan3A_12 = arith.addi %scan3A_10, %scan3A_11 : i32
    %scan3A_13 = arith.constant 1 : i32
    scf.for %scan3A_44 = %scan3A_10 to %scan3A_12 step %scan3A_13  : i32 {
      %mul3A_45 = arith.constant 1 : i32
      %mul3A_46 = arith.muli %scan3A_44, %mul3A_45 : i32
      %add3A_47 = arith.constant 0 : i32
      %add3A_48 = arith.addi %add3A_47, %mul3A_46 : i32
      %mul3A_49 = arith.constant 16 : i32
      %mul3A_50 = arith.muli %mul3A_49, %add3A_48 : i32
      %swap3A = arith.index_cast %mul3A_50 : i32 to index
      %swap3A_51 = tpu.vector_load %arg14[%swap3A] {strides = array<i32>} : memref<640xf32, #tpu.memory_space<vmem>>, vector<16xf32>,
      %swap3A_52 = vector.shape_cast %swap3A_51 : vector<16xf32> to vector<16xf32>
      %swap3A_53 = vector.shape_cast %broadcast_in_dim3A_1 : vector<16xf32> to vector<16xf32>
      tpu.vector_store %arg14[%swap3A], %swap3A_53 {strides = array<i32>} : memref<640xf32, #tpu.memory_space<vmem>>, vector<16xf32>,
    }
    %scan3A_14 = arith.constant 40 : i32
    %scan3A_15 = arith.constant 0 : i32
    %scan3A_16 = arith.constant 5 : i32
    %scan3A_17 = arith.addi %scan3A_15, %scan3A_16 : i32
    %scan3A_18 = arith.constant 1 : i32
    scf.for %scan3A_44 = %scan3A_15 to %scan3A_17 step %scan3A_18  : i32 {
      %mul3A_45 = arith.constant 1 : i32
      %mul3A_46 = arith.muli %scan3A_44, %mul3A_45 : i32
      %add3A_47 = arith.constant 0 : i32
      %add3A_48 = arith.addi %add3A_47, %mul3A_46 : i32
      %mul3A_49 = arith.constant 16 : i32
      %mul3A_50 = arith.muli %mul3A_49, %add3A_48 : i32
      %swap3A = arith.index_cast %mul3A_50 : i32 to index
      %swap3A_51 = tpu.vector_load %arg13[%swap3A] {strides = array<i32>} : memref<80xf32, #tpu.memory_space<vmem>>, vector<16xf32>,
      %swap3A_52 = vector.shape_cast %swap3A_51 : vector<16xf32> to vector<16xf32>
      %swap3A_53 = vector.shape_cast %broadcast_in_dim3A_3 : vector<16xf32> to vector<16xf32>
      tpu.vector_store %arg13[%swap3A], %swap3A_53 {strides = array<i32>} : memref<80xf32, #tpu.memory_space<vmem>>, vector<16xf32>,
    }
    %scan3A_19 = arith.constant 5 : i32
    "tpu.region"() ({
      %run_scoped3A = tpu.sem_alloc : memref<!tpu.dma_semaphore, #tpu.memory_space<semaphore_mem>>
      %dma_start3A = tpu.memref_slice %arg12[%mul3A_9] : memref<10240xf32, #tpu.memory_space<vmem_shared>> -> memref<640xf32, #tpu.memory_space<vmem_shared>>
      %dma_start3A_44 = tpu.memref_slice %arg12[%mul3A_9] : memref<10240xf32, #tpu.memory_space<vmem_shared>> -> memref<640xf32, #tpu.memory_space<vmem_shared>>
      tpu.enqueue_dma source(%arg14 : memref<640xf32, #tpu.memory_space<vmem>>) target(%dma_start3A_44 : memref<640xf32, #tpu.memory_space<vmem_shared>>) target_semaphore(%run_scoped3A : memref<!tpu.dma_semaphore, #tpu.memory_space<semaphore_mem>>)
      %dma_wait3A = tpu.memref_slice %arg12[%mul3A_9] : memref<10240xf32, #tpu.memory_space<vmem_shared>> -> memref<640xf32, #tpu.memory_space<vmem_shared>>
      %dma_wait3A_45 = tpu.memref_slice %arg12[%mul3A_9] : memref<10240xf32, #tpu.memory_space<vmem_shared>> -> memref<640xf32, #tpu.memory_space<vmem_shared>>
      tpu.wait_dma2 semaphore(%run_scoped3A : memref<!tpu.dma_semaphore, #tpu.memory_space<semaphore_mem>>) src(%arg14 : memref<640xf32, #tpu.memory_space<vmem>>) dst(%dma_wait3A_45 : memref<640xf32, #tpu.memory_space<vmem_shared>>)
      tpu.yield
    }) : () -> ()
    %add3A_20 = arith.constant 0 : i32
    %add3A_21 = arith.addi %mul3A_9, %add3A_20 : i32
    "tpu.region"() ({
      %run_scoped3A = tpu.sem_alloc : memref<!tpu.dma_semaphore, #tpu.memory_space<semaphore_mem>>
      %dma_start3A = arith.constant 0 : i32
      %dma_start3A_44 = tpu.memref_slice %arg7[%add3A_21, %dma_start3A] : memref<10240x128xf32, #tpu.memory_space<vmem_shared>> -> memref<80x128xf32, #tpu.memory_space<vmem_shared>>
      %dma_start3A_45 = arith.constant 0 : i32
      %dma_start3A_46 = tpu.memref_slice %arg7[%add3A_21, %dma_start3A_45] : memref<10240x128xf32, #tpu.memory_space<vmem_shared>> -> memref<80x128xf32, #tpu.memory_space<vmem_shared>>
      tpu.enqueue_dma source(%arg10 : memref<80x128xf32, #tpu.memory_space<vmem>>) target(%dma_start3A_46 : memref<80x128xf32, #tpu.memory_space<vmem_shared>>) target_semaphore(%run_scoped3A : memref<!tpu.dma_semaphore, #tpu.memory_space<semaphore_mem>>)
      %dma_wait3A = arith.constant 0 : i32
      %dma_wait3A_47 = tpu.memref_slice %arg7[%add3A_21, %dma_wait3A] : memref<10240x128xf32, #tpu.memory_space<vmem_shared>> -> memref<80x128xf32, #tpu.memory_space<vmem_shared>>
      %dma_wait3A_48 = arith.constant 0 : i32
      %dma_wait3A_49 = tpu.memref_slice %arg7[%add3A_21, %dma_wait3A_48] : memref<10240x128xf32, #tpu.memory_space<vmem_shared>> -> memref<80x128xf32, #tpu.memory_space<vmem_shared>>
      tpu.wait_dma2 semaphore(%run_scoped3A : memref<!tpu.dma_semaphore, #tpu.memory_space<semaphore_mem>>) src(%arg10 : memref<80x128xf32, #tpu.memory_space<vmem>>) dst(%dma_wait3A_49 : memref<80x128xf32, #tpu.memory_space<vmem_shared>>)
      tpu.yield
    }) : () -> ()
    %add3A_22 = arith.constant 80 : i32
    %add3A_23 = arith.addi %mul3A_9, %add3A_22 : i32
    "tpu.region"() ({
      %run_scoped3A = tpu.sem_alloc : memref<!tpu.dma_semaphore, #tpu.memory_space<semaphore_mem>>
      %dma_start3A = arith.constant 0 : i32
      %dma_start3A_44 = tpu.memref_slice %arg7[%add3A_23, %dma_start3A] : memref<10240x128xf32, #tpu.memory_space<vmem_shared>> -> memref<80x128xf32, #tpu.memory_space<vmem_shared>>
      %dma_start3A_45 = arith.constant 0 : i32
      %dma_start3A_46 = tpu.memref_slice %arg7[%add3A_23, %dma_start3A_45] : memref<10240x128xf32, #tpu.memory_space<vmem_shared>> -> memref<80x128xf32, #tpu.memory_space<vmem_shared>>
      tpu.enqueue_dma source(%arg10 : memref<80x128xf32, #tpu.memory_space<vmem>>) target(%dma_start3A_46 : memref<80x128xf32, #tpu.memory_space<vmem_shared>>) target_semaphore(%run_scoped3A : memref<!tpu.dma_semaphore, #tpu.memory_space<semaphore_mem>>)
      %dma_wait3A = arith.constant 0 : i32
      %dma_wait3A_47 = tpu.memref_slice %arg7[%add3A_23, %dma_wait3A] : memref<10240x128xf32, #tpu.memory_space<vmem_shared>> -> memref<80x128xf32, #tpu.memory_space<vmem_shared>>
      %dma_wait3A_48 = arith.constant 0 : i32
      %dma_wait3A_49 = tpu.memref_slice %arg7[%add3A_23, %dma_wait3A_48] : memref<10240x128xf32, #tpu.memory_space<vmem_shared>> -> memref<80x128xf32, #tpu.memory_space<vmem_shared>>
      tpu.wait_dma2 semaphore(%run_scoped3A : memref<!tpu.dma_semaphore, #tpu.memory_space<semaphore_mem>>) src(%arg10 : memref<80x128xf32, #tpu.memory_space<vmem>>) dst(%dma_wait3A_49 : memref<80x128xf32, #tpu.memory_space<vmem_shared>>)
      tpu.yield
    }) : () -> ()
    %add3A_24 = arith.constant 160 : i32
    %add3A_25 = arith.addi %mul3A_9, %add3A_24 : i32
    "tpu.region"() ({
      %run_scoped3A = tpu.sem_alloc : memref<!tpu.dma_semaphore, #tpu.memory_space<semaphore_mem>>
      %dma_start3A = arith.constant 0 : i32
      %dma_start3A_44 = tpu.memref_slice %arg7[%add3A_25, %dma_start3A] : memref<10240x128xf32, #tpu.memory_space<vmem_shared>> -> memref<80x128xf32, #tpu.memory_space<vmem_shared>>
      %dma_start3A_45 = arith.constant 0 : i32
      %dma_start3A_46 = tpu.memref_slice %arg7[%add3A_25, %dma_start3A_45] : memref<10240x128xf32, #tpu.memory_space<vmem_shared>> -> memref<80x128xf32, #tpu.memory_space<vmem_shared>>
      tpu.enqueue_dma source(%arg10 : memref<80x128xf32, #tpu.memory_space<vmem>>) target(%dma_start3A_46 : memref<80x128xf32, #tpu.memory_space<vmem_shared>>) target_semaphore(%run_scoped3A : memref<!tpu.dma_semaphore, #tpu.memory_space<semaphore_mem>>)
      %dma_wait3A = arith.constant 0 : i32
      %dma_wait3A_47 = tpu.memref_slice %arg7[%add3A_25, %dma_wait3A] : memref<10240x128xf32, #tpu.memory_space<vmem_shared>> -> memref<80x128xf32, #tpu.memory_space<vmem_shared>>
      %dma_wait3A_48 = arith.constant 0 : i32
      %dma_wait3A_49 = tpu.memref_slice %arg7[%add3A_25, %dma_wait3A_48] : memref<10240x128xf32, #tpu.memory_space<vmem_shared>> -> memref<80x128xf32, #tpu.memory_space<vmem_shared>>
      tpu.wait_dma2 semaphore(%run_scoped3A : memref<!tpu.dma_semaphore, #tpu.memory_space<semaphore_mem>>) src(%arg10 : memref<80x128xf32, #tpu.memory_space<vmem>>) dst(%dma_wait3A_49 : memref<80x128xf32, #tpu.memory_space<vmem_shared>>)
      tpu.yield
    }) : () -> ()
    %add3A_26 = arith.constant 240 : i32
    %add3A_27 = arith.addi %mul3A_9, %add3A_26 : i32
    "tpu.region"() ({
      %run_scoped3A = tpu.sem_alloc : memref<!tpu.dma_semaphore, #tpu.memory_space<semaphore_mem>>
      %dma_start3A = arith.constant 0 : i32
      %dma_start3A_44 = tpu.memref_slice %arg7[%add3A_27, %dma_start3A] : memref<10240x128xf32, #tpu.memory_space<vmem_shared>> -> memref<80x128xf32, #tpu.memory_space<vmem_shared>>
      %dma_start3A_45 = arith.constant 0 : i32
      %dma_start3A_46 = tpu.memref_slice %arg7[%add3A_27, %dma_start3A_45] : memref<10240x128xf32, #tpu.memory_space<vmem_shared>> -> memref<80x128xf32, #tpu.memory_space<vmem_shared>>
      tpu.enqueue_dma source(%arg10 : memref<80x128xf32, #tpu.memory_space<vmem>>) target(%dma_start3A_46 : memref<80x128xf32, #tpu.memory_space<vmem_shared>>) target_semaphore(%run_scoped3A : memref<!tpu.dma_semaphore, #tpu.memory_space<semaphore_mem>>)
      %dma_wait3A = arith.constant 0 : i32
      %dma_wait3A_47 = tpu.memref_slice %arg7[%add3A_27, %dma_wait3A] : memref<10240x128xf32, #tpu.memory_space<vmem_shared>> -> memref<80x128xf32, #tpu.memory_space<vmem_shared>>
      %dma_wait3A_48 = arith.constant 0 : i32
      %dma_wait3A_49 = tpu.memref_slice %arg7[%add3A_27, %dma_wait3A_48] : memref<10240x128xf32, #tpu.memory_space<vmem_shared>> -> memref<80x128xf32, #tpu.memory_space<vmem_shared>>
      tpu.wait_dma2 semaphore(%run_scoped3A : memref<!tpu.dma_semaphore, #tpu.memory_space<semaphore_mem>>) src(%arg10 : memref<80x128xf32, #tpu.memory_space<vmem>>) dst(%dma_wait3A_49 : memref<80x128xf32, #tpu.memory_space<vmem_shared>>)
      tpu.yield
    }) : () -> ()
    %add3A_28 = arith.constant 320 : i32
    %add3A_29 = arith.addi %mul3A_9, %add3A_28 : i32
    "tpu.region"() ({
      %run_scoped3A = tpu.sem_alloc : memref<!tpu.dma_semaphore, #tpu.memory_space<semaphore_mem>>
      %dma_start3A = arith.constant 0 : i32
      %dma_start3A_44 = tpu.memref_slice %arg7[%add3A_29, %dma_start3A] : memref<10240x128xf32, #tpu.memory_space<vmem_shared>> -> memref<80x128xf32, #tpu.memory_space<vmem_shared>>
      %dma_start3A_45 = arith.constant 0 : i32
      %dma_start3A_46 = tpu.memref_slice %arg7[%add3A_29, %dma_start3A_45] : memref<10240x128xf32, #tpu.memory_space<vmem_shared>> -> memref<80x128xf32, #tpu.memory_space<vmem_shared>>
      tpu.enqueue_dma source(%arg10 : memref<80x128xf32, #tpu.memory_space<vmem>>) target(%dma_start3A_46 : memref<80x128xf32, #tpu.memory_space<vmem_shared>>) target_semaphore(%run_scoped3A : memref<!tpu.dma_semaphore, #tpu.memory_space<semaphore_mem>>)
      %dma_wait3A = arith.constant 0 : i32
      %dma_wait3A_47 = tpu.memref_slice %arg7[%add3A_29, %dma_wait3A] : memref<10240x128xf32, #tpu.memory_space<vmem_shared>> -> memref<80x128xf32, #tpu.memory_space<vmem_shared>>
      %dma_wait3A_48 = arith.constant 0 : i32
      %dma_wait3A_49 = tpu.memref_slice %arg7[%add3A_29, %dma_wait3A_48] : memref<10240x128xf32, #tpu.memory_space<vmem_shared>> -> memref<80x128xf32, #tpu.memory_space<vmem_shared>>
      tpu.wait_dma2 semaphore(%run_scoped3A : memref<!tpu.dma_semaphore, #tpu.memory_space<semaphore_mem>>) src(%arg10 : memref<80x128xf32, #tpu.memory_space<vmem>>) dst(%dma_wait3A_49 : memref<80x128xf32, #tpu.memory_space<vmem_shared>>)
      tpu.yield
    }) : () -> ()
    %add3A_30 = arith.constant 400 : i32
    %add3A_31 = arith.addi %mul3A_9, %add3A_30 : i32
    "tpu.region"() ({
      %run_scoped3A = tpu.sem_alloc : memref<!tpu.dma_semaphore, #tpu.memory_space<semaphore_mem>>
      %dma_start3A = arith.constant 0 : i32
      %dma_start3A_44 = tpu.memref_slice %arg7[%add3A_31, %dma_start3A] : memref<10240x128xf32, #tpu.memory_space<vmem_shared>> -> memref<80x128xf32, #tpu.memory_space<vmem_shared>>
      %dma_start3A_45 = arith.constant 0 : i32
      %dma_start3A_46 = tpu.memref_slice %arg7[%add3A_31, %dma_start3A_45] : memref<10240x128xf32, #tpu.memory_space<vmem_shared>> -> memref<80x128xf32, #tpu.memory_space<vmem_shared>>
      tpu.enqueue_dma source(%arg10 : memref<80x128xf32, #tpu.memory_space<vmem>>) target(%dma_start3A_46 : memref<80x128xf32, #tpu.memory_space<vmem_shared>>) target_semaphore(%run_scoped3A : memref<!tpu.dma_semaphore, #tpu.memory_space<semaphore_mem>>)
      %dma_wait3A = arith.constant 0 : i32
      %dma_wait3A_47 = tpu.memref_slice %arg7[%add3A_31, %dma_wait3A] : memref<10240x128xf32, #tpu.memory_space<vmem_shared>> -> memref<80x128xf32, #tpu.memory_space<vmem_shared>>
      %dma_wait3A_48 = arith.constant 0 : i32
      %dma_wait3A_49 = tpu.memref_slice %arg7[%add3A_31, %dma_wait3A_48] : memref<10240x128xf32, #tpu.memory_space<vmem_shared>> -> memref<80x128xf32, #tpu.memory_space<vmem_shared>>
      tpu.wait_dma2 semaphore(%run_scoped3A : memref<!tpu.dma_semaphore, #tpu.memory_space<semaphore_mem>>) src(%arg10 : memref<80x128xf32, #tpu.memory_space<vmem>>) dst(%dma_wait3A_49 : memref<80x128xf32, #tpu.memory_space<vmem_shared>>)
      tpu.yield
    }) : () -> ()
    %add3A_32 = arith.constant 480 : i32
    %add3A_33 = arith.addi %mul3A_9, %add3A_32 : i32
    "tpu.region"() ({
      %run_scoped3A = tpu.sem_alloc : memref<!tpu.dma_semaphore, #tpu.memory_space<semaphore_mem>>
      %dma_start3A = arith.constant 0 : i32
      %dma_start3A_44 = tpu.memref_slice %arg7[%add3A_33, %dma_start3A] : memref<10240x128xf32, #tpu.memory_space<vmem_shared>> -> memref<80x128xf32, #tpu.memory_space<vmem_shared>>
      %dma_start3A_45 = arith.constant 0 : i32
      %dma_start3A_46 = tpu.memref_slice %arg7[%add3A_33, %dma_start3A_45] : memref<10240x128xf32, #tpu.memory_space<vmem_shared>> -> memref<80x128xf32, #tpu.memory_space<vmem_shared>>
      tpu.enqueue_dma source(%arg10 : memref<80x128xf32, #tpu.memory_space<vmem>>) target(%dma_start3A_46 : memref<80x128xf32, #tpu.memory_space<vmem_shared>>) target_semaphore(%run_scoped3A : memref<!tpu.dma_semaphore, #tpu.memory_space<semaphore_mem>>)
      %dma_wait3A = arith.constant 0 : i32
      %dma_wait3A_47 = tpu.memref_slice %arg7[%add3A_33, %dma_wait3A] : memref<10240x128xf32, #tpu.memory_space<vmem_shared>> -> memref<80x128xf32, #tpu.memory_space<vmem_shared>>
      %dma_wait3A_48 = arith.constant 0 : i32
      %dma_wait3A_49 = tpu.memref_slice %arg7[%add3A_33, %dma_wait3A_48] : memref<10240x128xf32, #tpu.memory_space<vmem_shared>> -> memref<80x128xf32, #tpu.memory_space<vmem_shared>>
      tpu.wait_dma2 semaphore(%run_scoped3A : memref<!tpu.dma_semaphore, #tpu.memory_space<semaphore_mem>>) src(%arg10 : memref<80x128xf32, #tpu.memory_space<vmem>>) dst(%dma_wait3A_49 : memref<80x128xf32, #tpu.memory_space<vmem_shared>>)
      tpu.yield
    }) : () -> ()
    %add3A_34 = arith.constant 560 : i32
    %add3A_35 = arith.addi %mul3A_9, %add3A_34 : i32
    "tpu.region"() ({
      %run_scoped3A = tpu.sem_alloc : memref<!tpu.dma_semaphore, #tpu.memory_space<semaphore_mem>>
      %dma_start3A = arith.constant 0 : i32
      %dma_start3A_44 = tpu.memref_slice %arg7[%add3A_35, %dma_start3A] : memref<10240x128xf32, #tpu.memory_space<vmem_shared>> -> memref<80x128xf32, #tpu.memory_space<vmem_shared>>
      %dma_start3A_45 = arith.constant 0 : i32
      %dma_start3A_46 = tpu.memref_slice %arg7[%add3A_35, %dma_start3A_45] : memref<10240x128xf32, #tpu.memory_space<vmem_shared>> -> memref<80x128xf32, #tpu.memory_space<vmem_shared>>
      tpu.enqueue_dma source(%arg10 : memref<80x128xf32, #tpu.memory_space<vmem>>) target(%dma_start3A_46 : memref<80x128xf32, #tpu.memory_space<vmem_shared>>) target_semaphore(%run_scoped3A : memref<!tpu.dma_semaphore, #tpu.memory_space<semaphore_mem>>)
      %dma_wait3A = arith.constant 0 : i32
      %dma_wait3A_47 = tpu.memref_slice %arg7[%add3A_35, %dma_wait3A] : memref<10240x128xf32, #tpu.memory_space<vmem_shared>> -> memref<80x128xf32, #tpu.memory_space<vmem_shared>>
      %dma_wait3A_48 = arith.constant 0 : i32
      %dma_wait3A_49 = tpu.memref_slice %arg7[%add3A_35, %dma_wait3A_48] : memref<10240x128xf32, #tpu.memory_space<vmem_shared>> -> memref<80x128xf32, #tpu.memory_space<vmem_shared>>
      tpu.wait_dma2 semaphore(%run_scoped3A : memref<!tpu.dma_semaphore, #tpu.memory_space<semaphore_mem>>) src(%arg10 : memref<80x128xf32, #tpu.memory_space<vmem>>) dst(%dma_wait3A_49 : memref<80x128xf32, #tpu.memory_space<vmem_shared>>)
      tpu.yield
    }) : () -> ()
    %barrier3A = arith.constant 0 : index
    tpu.barrier barrier_id(%barrier3A)
    %mul3A_36 = arith.constant 10000 : i32
    %mul3A_37 = arith.muli %add3A, %mul3A_36 : i32
    %scan3A_38 = arith.constant 0 : i32
    %scan3A_39 = arith.constant 125 : i32
    %scan3A_40 = arith.addi %scan3A_38, %scan3A_39 : i32
    %scan3A_41 = arith.constant 1 : i32
    scf.for %scan3A_44 = %scan3A_38 to %scan3A_40 step %scan3A_41  : i32 {
      %mul3A_45 = arith.constant 1 : i32
      %mul3A_46 = arith.muli %scan3A_44, %mul3A_45 : i32
      %add3A_47 = arith.constant 0 : i32
      %add3A_48 = arith.addi %add3A_47, %mul3A_46 : i32
      %mul3A_49 = arith.constant 80 : i32
      %mul3A_50 = arith.muli %add3A_48, %mul3A_49 : i32
      %add3A_51 = arith.addi %mul3A_37, %mul3A_50 : i32
      %multiple_of3A = tpu.assume_multiple %add3A_51, 8 : i32
      "tpu.region"() ({
        %run_scoped3A = tpu.sem_alloc : memref<!tpu.dma_semaphore, #tpu.memory_space<semaphore_mem>>
        %dma_start3A_56 = tpu.memref_slice %arg3[%multiple_of3A] : memref<320000xi32, #tpu.memory_space<hbm>> -> memref<80xi32, #tpu.memory_space<hbm>>
        %dma_start3A_57 = tpu.memref_slice %arg3[%multiple_of3A] : memref<320000xi32, #tpu.memory_space<hbm>> -> memref<80xi32, #tpu.memory_space<hbm>>
        tpu.enqueue_dma source(%dma_start3A_57 : memref<80xi32, #tpu.memory_space<hbm>>) target(%arg8 : memref<80xi32, #tpu.memory_space<vmem>>) target_semaphore(%run_scoped3A : memref<!tpu.dma_semaphore, #tpu.memory_space<semaphore_mem>>)
        %dma_wait3A_58 = tpu.memref_slice %arg3[%multiple_of3A] : memref<320000xi32, #tpu.memory_space<hbm>> -> memref<80xi32, #tpu.memory_space<hbm>>
        %dma_wait3A_59 = tpu.memref_slice %arg3[%multiple_of3A] : memref<320000xi32, #tpu.memory_space<hbm>> -> memref<80xi32, #tpu.memory_space<hbm>>
        tpu.wait_dma2 semaphore(%run_scoped3A : memref<!tpu.dma_semaphore, #tpu.memory_space<semaphore_mem>>) src(%dma_wait3A_59 : memref<80xi32, #tpu.memory_space<hbm>>) dst(%arg8 : memref<80xi32, #tpu.memory_space<vmem>>)
        tpu.yield
      }) : () -> ()
      "tpu.region"() ({
        %run_scoped3A = tpu.sem_alloc : memref<!tpu.dma_semaphore, #tpu.memory_space<semaphore_mem>>
        %dma_start3A_56 = tpu.memref_slice %arg4[%multiple_of3A] : memref<320000xi32, #tpu.memory_space<hbm>> -> memref<80xi32, #tpu.memory_space<hbm>>
        %dma_start3A_57 = tpu.memref_slice %arg4[%multiple_of3A] : memref<320000xi32, #tpu.memory_space<hbm>> -> memref<80xi32, #tpu.memory_space<hbm>>
        tpu.enqueue_dma source(%dma_start3A_57 : memref<80xi32, #tpu.memory_space<hbm>>) target(%arg9 : memref<80xi32, #tpu.memory_space<vmem>>) target_semaphore(%run_scoped3A : memref<!tpu.dma_semaphore, #tpu.memory_space<semaphore_mem>>)
        %dma_wait3A_58 = tpu.memref_slice %arg4[%multiple_of3A] : memref<320000xi32, #tpu.memory_space<hbm>> -> memref<80xi32, #tpu.memory_space<hbm>>
        %dma_wait3A_59 = tpu.memref_slice %arg4[%multiple_of3A] : memref<320000xi32, #tpu.memory_space<hbm>> -> memref<80xi32, #tpu.memory_space<hbm>>
        tpu.wait_dma2 semaphore(%run_scoped3A : memref<!tpu.dma_semaphore, #tpu.memory_space<semaphore_mem>>) src(%dma_wait3A_59 : memref<80xi32, #tpu.memory_space<hbm>>) dst(%arg9 : memref<80xi32, #tpu.memory_space<vmem>>)
        tpu.yield
      }) : () -> ()
      %dma_start3A = arith.constant 0 : i32
      %dma_start3A_52 = arith.constant 0 : i32
      %dma_start3A_53 = tpu.memref_slice %arg2[%dma_start3A, %dma_start3A_52] : memref<10000x128xf32, #tpu.memory_space<hbm>> -> memref<10000x128xf32, #tpu.memory_space<hbm>>
      tpu.enqueue_indirect_dma source(%dma_start3A_53 : memref<10000x128xf32, #tpu.memory_space<hbm>>) target(%arg10 : memref<80x128xf32, #tpu.memory_space<vmem>>) offsets(%arg8 : memref<80xi32, #tpu.memory_space<vmem>>) semaphore(%arg11 : memref<!tpu.dma_semaphore, #tpu.memory_space<semaphore_mem>>)
      %dma_wait3A = arith.constant 0 : i32
      %dma_wait3A_54 = arith.constant 0 : i32
      %dma_wait3A_55 = tpu.memref_slice %arg2[%dma_wait3A, %dma_wait3A_54] : memref<10000x128xf32, #tpu.memory_space<hbm>> -> memref<10000x128xf32, #tpu.memory_space<hbm>>
      tpu.wait_indirect_dma semaphore(%arg11 : memref<!tpu.dma_semaphore, #tpu.memory_space<semaphore_mem>>) src(%dma_wait3A_55 : memref<10000x128xf32, #tpu.memory_space<hbm>>) dst(%arg10 : memref<80x128xf32, #tpu.memory_space<vmem>>)
      "tpu.region"() ({
        %run_scoped3A = tpu.sem_alloc : memref<!tpu.dma_semaphore, #tpu.memory_space<semaphore_mem>>
        %dma_start3A_56 = arith.constant 0 : i32
        %dma_start3A_57 = arith.constant 0 : i32
        %dma_start3A_58 = tpu.memref_slice %arg7[%dma_start3A_56, %dma_start3A_57] : memref<10240x128xf32, #tpu.memory_space<vmem_shared>> -> memref<10240x128xf32, #tpu.memory_space<vmem_shared>>
        tpu.enqueue_indirect_dma source(%arg10 : memref<80x128xf32, #tpu.memory_space<vmem>>) target(%dma_start3A_58 : memref<10240x128xf32, #tpu.memory_space<vmem_shared>>) offsets(%arg9 : memref<80xi32, #tpu.memory_space<vmem>>) semaphore(%run_scoped3A : memref<!tpu.dma_semaphore, #tpu.memory_space<semaphore_mem>>) {add = true}
        %dma_wait3A_59 = arith.constant 0 : i32
        %dma_wait3A_60 = arith.constant 0 : i32
        %dma_wait3A_61 = tpu.memref_slice %arg7[%dma_wait3A_59, %dma_wait3A_60] : memref<10240x128xf32, #tpu.memory_space<vmem_shared>> -> memref<10240x128xf32, #tpu.memory_space<vmem_shared>>
        tpu.wait_indirect_dma semaphore(%run_scoped3A : memref<!tpu.dma_semaphore, #tpu.memory_space<semaphore_mem>>) src(%arg10 : memref<80x128xf32, #tpu.memory_space<vmem>>) dst(%dma_wait3A_61 : memref<10240x128xf32, #tpu.memory_space<vmem_shared>>)
        tpu.yield
      }) : () -> ()
      "tpu.region"() ({
        %run_scoped3A = tpu.sem_alloc : memref<!tpu.dma_semaphore, #tpu.memory_space<semaphore_mem>>
        %dma_start3A_56 = arith.constant 0 : i32
        %dma_start3A_57 = tpu.memref_slice %arg12[%dma_start3A_56] : memref<10240xf32, #tpu.memory_space<vmem_shared>> -> memref<10240xf32, #tpu.memory_space<vmem_shared>>
        tpu.enqueue_indirect_dma source(%arg13 : memref<80xf32, #tpu.memory_space<vmem>>) target(%dma_start3A_57 : memref<10240xf32, #tpu.memory_space<vmem_shared>>) offsets(%arg9 : memref<80xi32, #tpu.memory_space<vmem>>) semaphore(%run_scoped3A : memref<!tpu.dma_semaphore, #tpu.memory_space<semaphore_mem>>) {add = true}
        %dma_wait3A_58 = arith.constant 0 : i32
        %dma_wait3A_59 = tpu.memref_slice %arg12[%dma_wait3A_58] : memref<10240xf32, #tpu.memory_space<vmem_shared>> -> memref<10240xf32, #tpu.memory_space<vmem_shared>>
        tpu.wait_indirect_dma semaphore(%run_scoped3A : memref<!tpu.dma_semaphore, #tpu.memory_space<semaphore_mem>>) src(%arg13 : memref<80xf32, #tpu.memory_space<vmem>>) dst(%dma_wait3A_59 : memref<10240xf32, #tpu.memory_space<vmem_shared>>)
        tpu.yield
      }) : () -> ()
    }
    %scan3A_42 = arith.constant 125 : i32
    %barrier3A_43 = arith.constant 0 : index
    tpu.barrier barrier_id(%barrier3A_43)
    "tpu.region"() ({
      %run_scoped3A = tpu.sem_alloc : memref<!tpu.dma_semaphore, #tpu.memory_space<semaphore_mem>>
      %dma_start3A = arith.constant 0 : i32
      %dma_start3A_44 = tpu.memref_slice %arg5[%arg0, %mul3A_9, %dma_start3A] : memref<2x10240x128xf32, #tpu.memory_space<hbm>> -> memref<1x640x128xf32, #tpu.memory_space<hbm>>
      %dma_start3A_45 = tpu.memref_squeeze %dma_start3A_44 : memref<1x640x128xf32, #tpu.memory_space<hbm>> -> memref<640x128xf32, #tpu.memory_space<hbm>>
      %dma_start3A_46 = arith.constant 0 : i32
      %dma_start3A_47 = tpu.memref_slice %arg7[%mul3A_9, %dma_start3A_46] : memref<10240x128xf32, #tpu.memory_space<vmem_shared>> -> memref<640x128xf32, #tpu.memory_space<vmem_shared>>
      tpu.enqueue_dma source(%dma_start3A_47 : memref<640x128xf32, #tpu.memory_space<vmem_shared>>) target(%dma_start3A_45 : memref<640x128xf32, #tpu.memory_space<hbm>>) target_semaphore(%run_scoped3A : memref<!tpu.dma_semaphore, #tpu.memory_space<semaphore_mem>>)
      %dma_wait3A = arith.constant 0 : i32
      %dma_wait3A_48 = tpu.memref_slice %arg5[%arg0, %mul3A_9, %dma_wait3A] : memref<2x10240x128xf32, #tpu.memory_space<hbm>> -> memref<1x640x128xf32, #tpu.memory_space<hbm>>
      %dma_wait3A_49 = tpu.memref_squeeze %dma_wait3A_48 : memref<1x640x128xf32, #tpu.memory_space<hbm>> -> memref<640x128xf32, #tpu.memory_space<hbm>>
      %dma_wait3A_50 = arith.constant 0 : i32
      %dma_wait3A_51 = tpu.memref_slice %arg7[%mul3A_9, %dma_wait3A_50] : memref<10240x128xf32, #tpu.memory_space<vmem_shared>> -> memref<640x128xf32, #tpu.memory_space<vmem_shared>>
      tpu.wait_dma2 semaphore(%run_scoped3A : memref<!tpu.dma_semaphore, #tpu.memory_space<semaphore_mem>>) src(%dma_wait3A_51 : memref<640x128xf32, #tpu.memory_space<vmem_shared>>) dst(%dma_wait3A_49 : memref<640x128xf32, #tpu.memory_space<hbm>>)
      tpu.yield
    }) : () -> ()
    "tpu.region"() ({
      %run_scoped3A = tpu.sem_alloc : memref<!tpu.dma_semaphore, #tpu.memory_space<semaphore_mem>>
      %dma_start3A = tpu.memref_slice %arg6[%arg0, %mul3A_9] : memref<2x10240xf32, #tpu.memory_space<hbm>> -> memref<1x640xf32, #tpu.memory_space<hbm>>
      %dma_start3A_44 = tpu.memref_squeeze %dma_start3A : memref<1x640xf32, #tpu.memory_space<hbm>> -> memref<640xf32, #tpu.memory_space<hbm>>
      %dma_start3A_45 = tpu.memref_slice %arg12[%mul3A_9] : memref<10240xf32, #tpu.memory_space<vmem_shared>> -> memref<640xf32, #tpu.memory_space<vmem_shared>>
      tpu.enqueue_dma source(%dma_start3A_45 : memref<640xf32, #tpu.memory_space<vmem_shared>>) target(%dma_start3A_44 : memref<640xf32, #tpu.memory_space<hbm>>) target_semaphore(%run_scoped3A : memref<!tpu.dma_semaphore, #tpu.memory_space<semaphore_mem>>)
      %dma_wait3A = tpu.memref_slice %arg6[%arg0, %mul3A_9] : memref<2x10240xf32, #tpu.memory_space<hbm>> -> memref<1x640xf32, #tpu.memory_space<hbm>>
      %dma_wait3A_46 = tpu.memref_squeeze %dma_wait3A : memref<1x640xf32, #tpu.memory_space<hbm>> -> memref<640xf32, #tpu.memory_space<hbm>>
      %dma_wait3A_47 = tpu.memref_slice %arg12[%mul3A_9] : memref<10240xf32, #tpu.memory_space<vmem_shared>> -> memref<640xf32, #tpu.memory_space<vmem_shared>>
      tpu.wait_dma2 semaphore(%run_scoped3A : memref<!tpu.dma_semaphore, #tpu.memory_space<semaphore_mem>>) src(%dma_wait3A_47 : memref<640xf32, #tpu.memory_space<vmem_shared>>) dst(%dma_wait3A_46 : memref<640xf32, #tpu.memory_space<hbm>>)
      tpu.yield
    }) : () -> ()
    return
  }
}

module attributes {stable_mosaic.version = 14 : i64} {
  func.func @_tc1_body(%arg0: i32, %arg1: memref<2x1000x128xf32, #tpu.memory_space<vmem>>, %arg2: memref<1000x2xf32, #tpu.memory_space<vmem>>, %arg3: memref<1000x128xf32, #tpu.memory_space<vmem>>, %arg4: memref<128x128xf32, #tpu.memory_space<vmem>>, %arg5: memref<128x128xf32, #tpu.memory_space<vmem>>, %arg6: memref<1x128xf32, #tpu.memory_space<vmem>>, %arg7: memref<1000x128xf32, #tpu.memory_space<vmem>>) attributes {dimension_semantics = [#tpu.dimension_semantics<arbitrary>], iteration_bounds = array<i64: 10>, scalar_prefetch = 0 : i64, scratch_operands = 0 : i64, tpu.core_type = #tpu.core_type<tc>, window_params = [{transform_indices = @transform_0, window_bounds = array<i64: 2, 1000, 128>}, {transform_indices = @transform_1, window_bounds = array<i64: 1000, 2>}, {transform_indices = @transform_2, window_bounds = array<i64: 1000, 128>}, {pipeline_mode = #tpu.pipeline_mode<synchronous>, transform_indices = @transform_3, window_bounds = array<i64: 128, 128>}, {pipeline_mode = #tpu.pipeline_mode<synchronous>, transform_indices = @transform_4, window_bounds = array<i64: 128, 128>}, {pipeline_mode = #tpu.pipeline_mode<synchronous>, transform_indices = @transform_5, window_bounds = array<i64: 1, 128>}, {transform_indices = @transform_6, window_bounds = array<i64: 1000, 128>}]} {
    %get3A = arith.constant 0 : index
    %get3A_0 = arith.constant 0 : index
    %get3A_1 = vector.load %arg2[%get3A, %get3A_0] : memref<1000x2xf32, #tpu.memory_space<vmem>>, vector<1000x2xf32>
    %reduce_sum3A = arith.constant dense<0.000000e+00> : vector<1000xf32>
    %reduce_sum3A_2 = vector.multi_reduction <add>, %get3A_1, %reduce_sum3A [1] : vector<1000x2xf32> to vector<1000xf32>
    %broadcast_in_dim3A = vector.shape_cast %reduce_sum3A_2 : vector<1000xf32> to vector<1000x1xf32>
    %get3A_3 = arith.constant 0 : index
    %get3A_4 = arith.constant 0 : index
    %get3A_5 = arith.constant 0 : index
    %get3A_6 = vector.load %arg1[%get3A_3, %get3A_4, %get3A_5] : memref<2x1000x128xf32, #tpu.memory_space<vmem>>, vector<1x1000x128xf32>
    %get3A_7 = vector.shape_cast %get3A_6 : vector<1x1000x128xf32> to vector<1000x128xf32>
    %get3A_8 = arith.constant 1 : index
    %get3A_9 = arith.constant 0 : index
    %get3A_10 = arith.constant 0 : index
    %get3A_11 = vector.load %arg1[%get3A_8, %get3A_9, %get3A_10] : memref<2x1000x128xf32, #tpu.memory_space<vmem>>, vector<1x1000x128xf32>
    %get3A_12 = vector.shape_cast %get3A_11 : vector<1x1000x128xf32> to vector<1000x128xf32>
    %add3A = arith.addf %get3A_7, %get3A_12 : vector<1000x128xf32>
    %jit3A = arith.constant 1.000000e+00 : f32
    %max3A = vector.broadcast %jit3A : f32 to vector<1000x1xf32>
    %max3A_13 = arith.maximumf %max3A, %broadcast_in_dim3A : vector<1000x1xf32>
    %div3A = vector.broadcast %max3A_13 : vector<1000x1xf32> to vector<1000x128xf32>
    %div3A_14 = arith.divf %add3A, %div3A : vector<1000x128xf32>
    %get3A_15 = arith.constant 0 : index
    %get3A_16 = arith.constant 0 : index
    %get3A_17 = vector.load %arg4[%get3A_15, %get3A_16] : memref<128x128xf32, #tpu.memory_space<vmem>>, vector<128x128xf32>
    %dot_general3A = arith.constant dense<0.000000e+00> : vector<1000x128xf32>
    %dot_general3A_18 = tpu.matmul %div3A_14, %get3A_17, %dot_general3A {dimension_numbers = #tpu.dot_dimension_numbers<[1], [0], [0], [1], [0, 0, 1, 1], [], []>, transpose_lhs_hint = false} : vector<1000x128xf32>, vector<128x128xf32>, vector<1000x128xf32> -> vector<1000x128xf32>
    %get3A_19 = arith.constant 0 : index
    %get3A_20 = arith.constant 0 : index
    %get3A_21 = vector.load %arg3[%get3A_19, %get3A_20] : memref<1000x128xf32, #tpu.memory_space<vmem>>, vector<1000x128xf32>
    %get3A_22 = arith.constant 0 : index
    %get3A_23 = arith.constant 0 : index
    %get3A_24 = vector.load %arg5[%get3A_22, %get3A_23] : memref<128x128xf32, #tpu.memory_space<vmem>>, vector<128x128xf32>
    %dot_general3A_25 = arith.constant dense<0.000000e+00> : vector<1000x128xf32>
    %dot_general3A_26 = tpu.matmul %get3A_21, %get3A_24, %dot_general3A_25 {dimension_numbers = #tpu.dot_dimension_numbers<[1], [0], [0], [1], [0, 0, 1, 1], [], []>, transpose_lhs_hint = false} : vector<1000x128xf32>, vector<128x128xf32>, vector<1000x128xf32> -> vector<1000x128xf32>
    %add3A_27 = arith.addf %dot_general3A_18, %dot_general3A_26 : vector<1000x128xf32>
    %get3A_28 = arith.constant 0 : index
    %get3A_29 = arith.constant 0 : index
    %get3A_30 = vector.load %arg6[%get3A_28, %get3A_29] : memref<1x128xf32, #tpu.memory_space<vmem>>, vector<1x128xf32>
    %add3A_31 = vector.broadcast %get3A_30 : vector<1x128xf32> to vector<1000x128xf32>
    %add3A_32 = arith.addf %add3A_27, %add3A_31 : vector<1000x128xf32>
    %max3A_33 = arith.constant 0.000000e+00 : f32
    %max3A_34 = vector.broadcast %max3A_33 : f32 to vector<1000x128xf32>
    %max3A_35 = arith.maximumf %add3A_32, %max3A_34 : vector<1000x128xf32>
    %swap3A = arith.constant 0 : index
    %swap3A_36 = arith.constant 0 : index
    %swap3A_37 = vector.load %arg7[%swap3A, %swap3A_36] : memref<1000x128xf32, #tpu.memory_space<vmem>>, vector<1000x128xf32>
    tpu.vector_store %arg7[%swap3A, %swap3A_36], %max3A_35 {strides = array<i32>} : memref<1000x128xf32, #tpu.memory_space<vmem>>, vector<1000x128xf32>,
    return
  }
  func.func @transform_0(%arg0: i32) -> (i32, i32, i32) {
    %c0_i32 = arith.constant 0 : i32
    %c0_i32_0 = arith.constant 0 : i32
    %c0_i32_1 = arith.constant 0 : i32
    return %c0_i32, %arg0, %c0_i32_0 : i32, i32, i32
  }
  func.func @transform_1(%arg0: i32) -> (i32, i32) {
    %c0_i32 = arith.constant 0 : i32
    %c0_i32_0 = arith.constant 0 : i32
    return %arg0, %c0_i32 : i32, i32
  }
  func.func @transform_2(%arg0: i32) -> (i32, i32) {
    %c0_i32 = arith.constant 0 : i32
    %c0_i32_0 = arith.constant 0 : i32
    return %arg0, %c0_i32 : i32, i32
  }
  func.func @transform_3(%arg0: i32) -> (i32, i32) {
    %c0_i32 = arith.constant 0 : i32
    %c0_i32_0 = arith.constant 0 : i32
    %c0_i32_1 = arith.constant 0 : i32
    return %c0_i32, %c0_i32_0 : i32, i32
  }
  func.func @transform_4(%arg0: i32) -> (i32, i32) {
    %c0_i32 = arith.constant 0 : i32
    %c0_i32_0 = arith.constant 0 : i32
    %c0_i32_1 = arith.constant 0 : i32
    return %c0_i32, %c0_i32_0 : i32, i32
  }
  func.func @transform_5(%arg0: i32) -> (i32, i32) {
    %c0_i32 = arith.constant 0 : i32
    %c0_i32_0 = arith.constant 0 : i32
    %c0_i32_1 = arith.constant 0 : i32
    return %c0_i32, %c0_i32_0 : i32, i32
  }
  func.func @transform_6(%arg0: i32) -> (i32, i32) {
    %c0_i32 = arith.constant 0 : i32
    %c0_i32_0 = arith.constant 0 : i32
    return %arg0, %c0_i32 : i32, i32
  }
}

module attributes {stable_mosaic.version = 14 : i64} {
  func.func @_tc2_body(%arg0: i32, %arg1: memref<2x1000x128xf32, #tpu.memory_space<vmem>>, %arg2: memref<1000x2xf32, #tpu.memory_space<vmem>>, %arg3: memref<1000x128xf32, #tpu.memory_space<vmem>>, %arg4: memref<128x128xf32, #tpu.memory_space<vmem>>, %arg5: memref<128x128xf32, #tpu.memory_space<vmem>>, %arg6: memref<1x128xf32, #tpu.memory_space<vmem>>, %arg7: memref<128x128xf32, #tpu.memory_space<vmem>>, %arg8: memref<1x128xf32, #tpu.memory_space<vmem>>, %arg9: memref<128x128xf32, #tpu.memory_space<vmem>>, %arg10: memref<1x128xf32, #tpu.memory_space<vmem>>, %arg11: memref<1000x128xf32, #tpu.memory_space<vmem>>) attributes {dimension_semantics = [#tpu.dimension_semantics<arbitrary>], iteration_bounds = array<i64: 10>, scalar_prefetch = 0 : i64, scratch_operands = 0 : i64, tpu.core_type = #tpu.core_type<tc>, window_params = [{transform_indices = @transform_0, window_bounds = array<i64: 2, 1000, 128>}, {transform_indices = @transform_1, window_bounds = array<i64: 1000, 2>}, {transform_indices = @transform_2, window_bounds = array<i64: 1000, 128>}, {pipeline_mode = #tpu.pipeline_mode<synchronous>, transform_indices = @transform_3, window_bounds = array<i64: 128, 128>}, {pipeline_mode = #tpu.pipeline_mode<synchronous>, transform_indices = @transform_4, window_bounds = array<i64: 128, 128>}, {pipeline_mode = #tpu.pipeline_mode<synchronous>, transform_indices = @transform_5, window_bounds = array<i64: 1, 128>}, {pipeline_mode = #tpu.pipeline_mode<synchronous>, transform_indices = @transform_6, window_bounds = array<i64: 128, 128>}, {pipeline_mode = #tpu.pipeline_mode<synchronous>, transform_indices = @transform_7, window_bounds = array<i64: 1, 128>}, {pipeline_mode = #tpu.pipeline_mode<synchronous>, transform_indices = @transform_8, window_bounds = array<i64: 128, 128>}, {pipeline_mode = #tpu.pipeline_mode<synchronous>, transform_indices = @transform_9, window_bounds = array<i64: 1, 128>}, {transform_indices = @transform_10, window_bounds = array<i64: 1000, 128>}]} {
    %get3A = arith.constant 0 : index
    %get3A_0 = arith.constant 0 : index
    %get3A_1 = vector.load %arg2[%get3A, %get3A_0] : memref<1000x2xf32, #tpu.memory_space<vmem>>, vector<1000x2xf32>
    %reduce_sum3A = arith.constant dense<0.000000e+00> : vector<1000xf32>
    %reduce_sum3A_2 = vector.multi_reduction <add>, %get3A_1, %reduce_sum3A [1] : vector<1000x2xf32> to vector<1000xf32>
    %broadcast_in_dim3A = vector.shape_cast %reduce_sum3A_2 : vector<1000xf32> to vector<1000x1xf32>
    %get3A_3 = arith.constant 0 : index
    %get3A_4 = arith.constant 0 : index
    %get3A_5 = arith.constant 0 : index
    %get3A_6 = vector.load %arg1[%get3A_3, %get3A_4, %get3A_5] : memref<2x1000x128xf32, #tpu.memory_space<vmem>>, vector<1x1000x128xf32>
    %get3A_7 = vector.shape_cast %get3A_6 : vector<1x1000x128xf32> to vector<1000x128xf32>
    %get3A_8 = arith.constant 1 : index
    %get3A_9 = arith.constant 0 : index
    %get3A_10 = arith.constant 0 : index
    %get3A_11 = vector.load %arg1[%get3A_8, %get3A_9, %get3A_10] : memref<2x1000x128xf32, #tpu.memory_space<vmem>>, vector<1x1000x128xf32>
    %get3A_12 = vector.shape_cast %get3A_11 : vector<1x1000x128xf32> to vector<1000x128xf32>
    %add3A = arith.addf %get3A_7, %get3A_12 : vector<1000x128xf32>
    %jit3A = arith.constant 1.000000e+00 : f32
    %max3A = vector.broadcast %jit3A : f32 to vector<1000x1xf32>
    %max3A_13 = arith.maximumf %max3A, %broadcast_in_dim3A : vector<1000x1xf32>
    %div3A = vector.broadcast %max3A_13 : vector<1000x1xf32> to vector<1000x128xf32>
    %div3A_14 = arith.divf %add3A, %div3A : vector<1000x128xf32>
    %get3A_15 = arith.constant 0 : index
    %get3A_16 = arith.constant 0 : index
    %get3A_17 = vector.load %arg4[%get3A_15, %get3A_16] : memref<128x128xf32, #tpu.memory_space<vmem>>, vector<128x128xf32>
    %dot_general3A = arith.constant dense<0.000000e+00> : vector<1000x128xf32>
    %dot_general3A_18 = tpu.matmul %div3A_14, %get3A_17, %dot_general3A {dimension_numbers = #tpu.dot_dimension_numbers<[1], [0], [0], [1], [0, 0, 1, 1], [], []>, transpose_lhs_hint = false} : vector<1000x128xf32>, vector<128x128xf32>, vector<1000x128xf32> -> vector<1000x128xf32>
    %get3A_19 = arith.constant 0 : index
    %get3A_20 = arith.constant 0 : index
    %get3A_21 = vector.load %arg3[%get3A_19, %get3A_20] : memref<1000x128xf32, #tpu.memory_space<vmem>>, vector<1000x128xf32>
    %get3A_22 = arith.constant 0 : index
    %get3A_23 = arith.constant 0 : index
    %get3A_24 = vector.load %arg5[%get3A_22, %get3A_23] : memref<128x128xf32, #tpu.memory_space<vmem>>, vector<128x128xf32>
    %dot_general3A_25 = arith.constant dense<0.000000e+00> : vector<1000x128xf32>
    %dot_general3A_26 = tpu.matmul %get3A_21, %get3A_24, %dot_general3A_25 {dimension_numbers = #tpu.dot_dimension_numbers<[1], [0], [0], [1], [0, 0, 1, 1], [], []>, transpose_lhs_hint = false} : vector<1000x128xf32>, vector<128x128xf32>, vector<1000x128xf32> -> vector<1000x128xf32>
    %add3A_27 = arith.addf %dot_general3A_18, %dot_general3A_26 : vector<1000x128xf32>
    %get3A_28 = arith.constant 0 : index
    %get3A_29 = arith.constant 0 : index
    %get3A_30 = vector.load %arg6[%get3A_28, %get3A_29] : memref<1x128xf32, #tpu.memory_space<vmem>>, vector<1x128xf32>
    %add3A_31 = vector.broadcast %get3A_30 : vector<1x128xf32> to vector<1000x128xf32>
    %add3A_32 = arith.addf %add3A_27, %add3A_31 : vector<1000x128xf32>
    %max3A_33 = arith.constant 0.000000e+00 : f32
    %max3A_34 = vector.broadcast %max3A_33 : f32 to vector<1000x128xf32>
    %max3A_35 = arith.maximumf %add3A_32, %max3A_34 : vector<1000x128xf32>
    %get3A_36 = arith.constant 0 : index
    %get3A_37 = arith.constant 0 : index
    %get3A_38 = vector.load %arg7[%get3A_36, %get3A_37] : memref<128x128xf32, #tpu.memory_space<vmem>>, vector<128x128xf32>
    %dot_general3A_39 = arith.constant dense<0.000000e+00> : vector<1000x128xf32>
    %dot_general3A_40 = tpu.matmul %max3A_35, %get3A_38, %dot_general3A_39 {dimension_numbers = #tpu.dot_dimension_numbers<[1], [0], [0], [1], [0, 0, 1, 1], [], []>, transpose_lhs_hint = false} : vector<1000x128xf32>, vector<128x128xf32>, vector<1000x128xf32> -> vector<1000x128xf32>
    %get3A_41 = arith.constant 0 : index
    %get3A_42 = arith.constant 0 : index
    %get3A_43 = vector.load %arg8[%get3A_41, %get3A_42] : memref<1x128xf32, #tpu.memory_space<vmem>>, vector<1x128xf32>
    %add3A_44 = vector.broadcast %get3A_43 : vector<1x128xf32> to vector<1000x128xf32>
    %add3A_45 = arith.addf %dot_general3A_40, %add3A_44 : vector<1000x128xf32>
    %get3A_46 = arith.constant 0 : index
    %get3A_47 = arith.constant 0 : index
    %get3A_48 = vector.load %arg9[%get3A_46, %get3A_47] : memref<128x128xf32, #tpu.memory_space<vmem>>, vector<128x128xf32>
    %dot_general3A_49 = arith.constant dense<0.000000e+00> : vector<1000x128xf32>
    %dot_general3A_50 = tpu.matmul %add3A_45, %get3A_48, %dot_general3A_49 {dimension_numbers = #tpu.dot_dimension_numbers<[1], [0], [0], [1], [0, 0, 1, 1], [], []>, transpose_lhs_hint = false} : vector<1000x128xf32>, vector<128x128xf32>, vector<1000x128xf32> -> vector<1000x128xf32>
    %get3A_51 = arith.constant 0 : index
    %get3A_52 = arith.constant 0 : index
    %get3A_53 = vector.load %arg10[%get3A_51, %get3A_52] : memref<1x128xf32, #tpu.memory_space<vmem>>, vector<1x128xf32>
    %add3A_54 = vector.broadcast %get3A_53 : vector<1x128xf32> to vector<1000x128xf32>
    %add3A_55 = arith.addf %dot_general3A_50, %add3A_54 : vector<1000x128xf32>
    %reduce_max3A = arith.constant dense<0xFF800000> : vector<1000xf32>
    %reduce_max3A_56 = vector.multi_reduction <maximumf>, %add3A_55, %reduce_max3A [1] : vector<1000x128xf32> to vector<1000xf32>
    %broadcast_in_dim3A_57 = vector.shape_cast %reduce_max3A_56 : vector<1000xf32> to vector<1000x1xf32>
    %sub3A = vector.broadcast %broadcast_in_dim3A_57 : vector<1000x1xf32> to vector<1000x128xf32>
    %sub3A_58 = arith.subf %add3A_55, %sub3A : vector<1000x128xf32>
    %exp3A = math.exp %sub3A_58 : vector<1000x128xf32>
    %reduce_sum3A_59 = arith.constant dense<0.000000e+00> : vector<1000xf32>
    %reduce_sum3A_60 = vector.multi_reduction <add>, %exp3A, %reduce_sum3A_59 [1] : vector<1000x128xf32> to vector<1000xf32>
    %broadcast_in_dim3A_61 = vector.shape_cast %reduce_sum3A_60 : vector<1000xf32> to vector<1000x1xf32>
    %log3A = math.log %broadcast_in_dim3A_61 : vector<1000x1xf32>
    %sub3A_62 = vector.broadcast %log3A : vector<1000x1xf32> to vector<1000x128xf32>
    %sub3A_63 = arith.subf %sub3A_58, %sub3A_62 : vector<1000x128xf32>
    %swap3A = arith.constant 0 : index
    %swap3A_64 = arith.constant 0 : index
    %swap3A_65 = vector.load %arg11[%swap3A, %swap3A_64] : memref<1000x128xf32, #tpu.memory_space<vmem>>, vector<1000x128xf32>
    tpu.vector_store %arg11[%swap3A, %swap3A_64], %sub3A_63 {strides = array<i32>} : memref<1000x128xf32, #tpu.memory_space<vmem>>, vector<1000x128xf32>,
    return
  }
  func.func @transform_0(%arg0: i32) -> (i32, i32, i32) {
    %c0_i32 = arith.constant 0 : i32
    %c0_i32_0 = arith.constant 0 : i32
    %c0_i32_1 = arith.constant 0 : i32
    return %c0_i32, %arg0, %c0_i32_0 : i32, i32, i32
  }
  func.func @transform_1(%arg0: i32) -> (i32, i32) {
    %c0_i32 = arith.constant 0 : i32
    %c0_i32_0 = arith.constant 0 : i32
    return %arg0, %c0_i32 : i32, i32
  }
  func.func @transform_2(%arg0: i32) -> (i32, i32) {
    %c0_i32 = arith.constant 0 : i32
    %c0_i32_0 = arith.constant 0 : i32
    return %arg0, %c0_i32 : i32, i32
  }
  func.func @transform_3(%arg0: i32) -> (i32, i32) {
    %c0_i32 = arith.constant 0 : i32
    %c0_i32_0 = arith.constant 0 : i32
    %c0_i32_1 = arith.constant 0 : i32
    return %c0_i32, %c0_i32_0 : i32, i32
  }
  func.func @transform_4(%arg0: i32) -> (i32, i32) {
    %c0_i32 = arith.constant 0 : i32
    %c0_i32_0 = arith.constant 0 : i32
    %c0_i32_1 = arith.constant 0 : i32
    return %c0_i32, %c0_i32_0 : i32, i32
  }
  func.func @transform_5(%arg0: i32) -> (i32, i32) {
    %c0_i32 = arith.constant 0 : i32
    %c0_i32_0 = arith.constant 0 : i32
    %c0_i32_1 = arith.constant 0 : i32
    return %c0_i32, %c0_i32_0 : i32, i32
  }
  func.func @transform_6(%arg0: i32) -> (i32, i32) {
    %c0_i32 = arith.constant 0 : i32
    %c0_i32_0 = arith.constant 0 : i32
    %c0_i32_1 = arith.constant 0 : i32
    return %c0_i32, %c0_i32_0 : i32, i32
  }
  func.func @transform_7(%arg0: i32) -> (i32, i32) {
    %c0_i32 = arith.constant 0 : i32
    %c0_i32_0 = arith.constant 0 : i32
    %c0_i32_1 = arith.constant 0 : i32
    return %c0_i32, %c0_i32_0 : i32, i32
  }
  func.func @transform_8(%arg0: i32) -> (i32, i32) {
    %c0_i32 = arith.constant 0 : i32
    %c0_i32_0 = arith.constant 0 : i32
    %c0_i32_1 = arith.constant 0 : i32
    return %c0_i32, %c0_i32_0 : i32, i32
  }
  func.func @transform_9(%arg0: i32) -> (i32, i32) {
    %c0_i32 = arith.constant 0 : i32
    %c0_i32_0 = arith.constant 0 : i32
    %c0_i32_1 = arith.constant 0 : i32
    return %c0_i32, %c0_i32_0 : i32, i32
  }
  func.func @transform_10(%arg0: i32) -> (i32, i32) {
    %c0_i32 = arith.constant 0 : i32
    %c0_i32_0 = arith.constant 0 : i32
    return %arg0, %c0_i32 : i32, i32
  }
}

</mosaic_0001>

<sc_bundles>
// kernel: kernel.6.cloned.1.call-start
scs
__scs_entry_jumppad:
0x0: {  	(pc) =	sbr.rel $0x88, $3  }
0x1: {  	(tag) =	ssettag $0x0;
	lr =	simm.s32 $0x1  }
0x2: {  	[smem:$0x3F93] =	sst lr;
	_ =	strace $0xD0000000  }
0x3: {  	_ = 	snop  }
0x4: {  	_ = 	snop  }
0x5: {  	_ = 	snop  }
0x6: {  	_ = 	snop  }
0x7: {  	_ = 	snop  }
__scs_overlays_trampoline_lowered:
0x8: {  	[smem:$0x3FA2] =	sst s0  }
0x9: {  	[smem:$0x3FA3] =	sst s1  }
0xa: {  	[smem:$0x3FA4] =	sst s2  }
0xb: {  	[smem:$0x3FA5] =	sst s3  }
0xc: {  	[smem:$0x3FA6] =	sst s4  }
0xd: {  	[smem:$0x3FA7] =	sst s5  }
0xe: {  	[smem:$0x3FA8] =	sst s6  }
0xf: {  	[smem:$0x3FA9] =	sst s7  }
0x10: {  	[smem:$0x3FAA] =	sst s8  }
0x11: {  	[smem:$0x3FAB] =	sst s9;
	s0 =	simm.s32 @!p0 $0x0  }
0x12: {  	s1 =	sld [smem:$0x3F91];
	s0 =	simm.s32 @p0 $0x1  }
0x13: {  	[smem:$0x3FAC] =	sst s0;
	s0 =	simm.s32 @!p1 $0x0  }
0x14: {  	s2 =	sld [smem:$0x3F90];
	s0 =	simm.s32 @p1 $0x1  }
0x15: {  	[smem:$0x3FAD] =	sst s0;
	s0 =	simm.s32 @!p2 $0x0  }
0x16: {  	s3 =	sld [smem:$0x3FDB];
	s0 =	simm.s32 @p2 $0x1  }
0x17: {  	s4 =	simm.s32 $0x1BF5;
	[smem:$0x3FAF] =	sst s0  }
0x18: {  	s0 =	sld [smem:$0x3F92];
	_ =	swait.ge [sflag:s4], $0x0  }
0x19: {  	s7 =	sld [smem:$0x3F93]  }
0x1a: {  	s8 =	sadd.s32 $0xFFFFE003, lr  }
0x1b: {  	s9 =	sadd.s32 $0xFFFFFEF7, lr;
	s5 =	simm.s32 $0xFFFFFFFF;
	p2 =	slt.u32 s8, $0xFFFFF086  }
0x1c: {  	p1 =	slt.u32 s9, $0xF7A;
	s5 =	simm.s32 @!p2 $0x0  }
0x1d: {  	s5 =	simm.s32 @p1 $0x1;
	p0 =	seq.s32 s7, s2  }
0x1e: {  	s7 =	smul.u32 @!p0 $0xF7A, s2;
	p2 =	seq.s32 @!p0 s5, $0x0  }
0x1f: {  	s9 =	smul.u32 $0xF7A, s1;
	s8 =	simm.s32 @!p0 $0x1BF5;
	p2 =	por !p2, p0  }
0x20: {  	[sflag:s8] =	ssyncset.s32 @!p0 $0xFFFFF086;
	s6 =	sadd.s32 @!p0 s3, s7;
	s7 =	simm.s32 @!p0 $0x108  }
0x21: {  	s3 =	sadd.s32 s3, s9;
	s6 =	sadd.s32 @!p0 $0x88, s6;
	s7 =	simm.s32 @p2 $0x1082  }
0x22: {  	[simem:s7], [sflag:s8] =	dma.local @!p0 [hbm:s6], $0xF7A  }
0x23: {  	s9 =	sor.u32 $0xD0000000, s2;
	s6 =	simm.s32 $0x108;
	_ =	swait.ge @!p0 [sflag:s8], $0x0  }
0x24: {  	s3 =	sadd.s32 $0x88, s3;
	s6 =	simm.s32 @!p1 $0x1082;
	[sflag:s4] =	ssyncset.s32 $0xFFFFF086  }
0x25: {  	[simem:s6], [sflag:s4] =	dma.local [hbm:s3], $0xF7A  }
0x26: {  	[smem:$0x3F93] =	sst s1;
	(tag) =	ssettag s2;
	_ =	strace s9  }
0x27: {  	s1 =	sld [smem:$0x3FA3]  }
0x28: {  	s2 =	sld [smem:$0x3FA4]  }
0x29: {  	s4 =	sld [smem:$0x3FA6]  }
0x2a: {  	p0 =	seq.s32 s5, $0x0;
	s5 =	sld [smem:$0x3FA7]  }
0x2b: {  	s6 =	sld [smem:$0x3FA8]  }
0x2c: {  	s7 =	sld [smem:$0x3FA9]  }
0x2d: {  	s3 =	simm.s32 $0x108;
	s8 =	sld [smem:$0x3FAA]  }
0x2e: {  	s3 =	simm.s32 @!p0 $0x1082;
	s9 =	sld [smem:$0x3FAB]  }
0x2f: {  	lr =	sadd.s32 s0, s3;
	s0 =	sld [smem:$0x3FA2]  }
0x30: {  	s3 =	sld [smem:$0x3FA5]  }
0x31: {  	[smem:$0x3FAE] =	sst s10  }
0x32: {  	s10 =	sld [smem:$0x3FAC];
	_ =	sdelay $0x3  }
0x33: {  	p0 =	seq.s32 s10, $0x1;
	s10 =	sld [smem:$0x3FAE];
	_ =	sdelay $0x3  }
0x34: {  	[smem:$0x3FAE] =	sst s10  }
0x35: {  	s10 =	sld [smem:$0x3FAD];
	_ =	sdelay $0x3  }
0x36: {  	p1 =	seq.s32 s10, $0x1;
	s10 =	sld [smem:$0x3FAE];
	_ =	sdelay $0x3  }
0x37: {  	[smem:$0x3FAE] =	sst s10  }
0x38: {  	s10 =	sld [smem:$0x3FAF]  }
0x39: {  	_ = 	snop;
	(pc) =	sbr.ind lr, $3  }
0x3a: {  	_ = 	snop  }
0x3b: {  	_ = 	snop  }
0x3c: {  	p2 =	seq.s32 s10, $0x1;
	s10 =	sld [smem:$0x3FAE]  }
0x3d: {  	_ =	shalt  }
0x3e: {  	_ =	shalt  }
0x3f: {  	_ =	shalt  }
0x40: {  	_ =	shalt  }
0x41: {  	_ =	shalt  }
0x42: {  	_ =	shalt  }
0x43: {  	_ =	shalt  }
0x44: {  	_ =	shalt  }
0x45: {  	_ =	shalt  }
0x46: {  	_ =	shalt  }
0x47: {  	_ =	shalt  }
0x48: {  	_ =	shalt  }
0x49: {  	_ =	shalt  }
0x4a: {  	_ =	shalt  }
0x4b: {  	_ =	shalt  }
0x4c: {  	_ =	shalt  }
0x4d: {  	_ =	shalt  }
0x4e: {  	_ =	shalt  }
0x4f: {  	_ =	shalt  }
0x50: {  	_ =	shalt  }
0x51: {  	_ =	shalt  }
0x52: {  	_ =	shalt  }
0x53: {  	_ =	shalt  }
0x54: {  	_ =	shalt  }
0x55: {  	_ =	shalt  }
0x56: {  	_ =	shalt  }
0x57: {  	_ =	shalt  }
0x58: {  	_ =	shalt  }
0x59: {  	_ =	shalt  }
0x5a: {  	_ =	shalt  }
0x5b: {  	_ =	shalt  }
0x5c: {  	_ =	shalt  }
0x5d: {  	_ =	shalt  }
0x5e: {  	_ =	shalt  }
0x5f: {  	_ =	shalt  }
0x60: {  	_ =	shalt  }
0x61: {  	_ =	shalt  }
0x62: {  	_ =	shalt  }
0x63: {  	_ =	shalt  }
0x64: {  	_ =	shalt  }
0x65: {  	_ =	shalt  }
0x66: {  	_ =	shalt  }
0x67: {  	_ =	shalt  }
0x68: {  	_ =	shalt  }
0x69: {  	_ =	shalt  }
0x6a: {  	_ =	shalt  }
0x6b: {  	_ =	shalt  }
0x6c: {  	_ =	shalt  }
0x6d: {  	_ =	shalt  }
0x6e: {  	_ =	shalt  }
0x6f: {  	_ =	shalt  }
0x70: {  	_ =	shalt  }
0x71: {  	_ =	shalt  }
0x72: {  	_ =	shalt  }
0x73: {  	_ =	shalt  }
0x74: {  	_ =	shalt  }
0x75: {  	_ =	shalt  }
0x76: {  	_ =	shalt  }
0x77: {  	_ =	shalt  }
0x78: {  	_ =	shalt  }
0x79: {  	_ =	shalt  }
0x7a: {  	_ =	shalt  }
0x7b: {  	_ =	shalt  }
0x7c: {  	_ =	shalt  }
0x7d: {  	_ =	shalt  }
0x7e: {  	_ =	shalt  }
0x7f: {  	_ =	shalt  }
0x80: {  	_ =	shalt  }
0x81: {  	_ =	shalt  }
0x82: {  	_ =	shalt  }
0x83: {  	_ =	shalt  }
0x84: {  	_ =	shalt  }
0x85: {  	_ =	shalt  }
0x86: {  	_ =	shalt  }
0x87: {  	_ =	shalt  }
.Lfunc_end0:
.L_simem_size_0:
called_computation_lowered:
.L_overlay_start_0:
0x88: {  	s2 =	sld [smem:$0x3FD9]  }
0x89: {  	s3 =	sld [smem:$0x3FFE];
	_ =	sdelay $0x1  }
0x8a: {  	s1 =	srdreg.scid  }
0x8b: {  	s0 =	sand.u32 $0x1, s1  }
0x8c: {  	s17 =	sshll.u32 s0, $0xA;
	s2 =	sadd.s32 s3, s2  }
0x8d: {  	s2 =	sadd.s32 s2, s17  }
0x8e: {  	[smem:$0x3FBA] =	sst s2  }
0x8f: {  	_ = 	snop  }
0x90: {  	s2 =	sld [smem:$0x3FC9]  }
0x91: {  	s18 =	sld [smem:$0x3FD0];
	(tm) =	ssettm $0x1  }
0x92: {  	s4 =	sld [smem:$0x3FFB];
	_ =	sdelay $0x3  }
0x93: {  	_ =	strace s4  }
0x94: {  	s4 =	sld [smem:$0x3FFC];
	_ =	sdelay $0x3  }
0x95: {  	_ =	strace s4  }
0x96: {  	s4 =	sld [smem:$0x3FFD];
	_ =	sdelay $0x3  }
0x97: {  	_ =	strace s4  }
0x98: {  	_ =	strace $0x8FFFFFFF  }
0x99: {  	s19 =	sld [smem:$0x3FDB];
	_ =	sdelay $0x1  }
0x9a: {  	s5 =	simm.s32 $_scs_section_size  }
0x9b: {  	s6 =	simm.s32 $_size__tile_overlayer_lowered;
	s7 =	simm.s32 $_tile_overlayer_lowered  }
0x9c: {  	s22 =	simm.s32 $0x1BFF;
	s21 =	sshll.u32 s7, $0x1;
	s4 =	sadd.s32 s5, s19  }
0x9d: {  	s8 =	simm.s32 $0x0;
	s20 =	sshll.u32 s6, $0x1;
	s6 =	sadd.s32 s21, s4  }
0x9e: {  	[timem:s8], [sflag:s22] =	dma.local [hbm:s6], s20  }
0x9f: {  	_ =	swait.ge [sflag:s22], s20  }
0xa0: {  	s5 =	ssub.s32 $0x0, s20;
	[sflag:s22] =	ssyncset.done $0x0  }
0xa1: {  	[sflag:s22] =	ssyncadd.s32 s5;
	_ =	sdelay $0x1  }
0xa2: {  	s23 =	simm.s32 $0x1B8B  }
0xa3: {  	_ =	swait.ge [sflag:s23], $0x1  }
0xa4: {  	[sflag:s23] =	ssyncset.done $0x0  }
0xa5: {  	s25 =	simm.s32 $0x1B8E;
	s24 =	sld [smem:$0x3FFE];
	[sflag:s23] =	ssyncadd.s32 $0xFFFFFFFF  }
0xa6: {  	s26 =	simm.s32 $execute0_lowered;
	[smem:$0x3FD2] =	sst s25  }
0xa7: {  	s6 =	sshll.u32 s26, $0x1;
	_ =	strace $0x80000046;
	[dreg:$0x1] =	wrdreg $0xFFFFFFFF  }
0xa8: {  	s28 =	simm.s32 $_size_execute0_lowered;
	s4 =	sadd.s32 s4, s6;
	[dreg:$0x0] =	wrdreg $0x0  }
0xa9: {  	s6 =	sshll.u32 s28, $0x1;
	[dreg:$0x2] =	wrdreg s4  }
0xaa: {  	[dreg:$0x3] =	wrdreg s6  }
0xab: {  	[dreg:$0x4] =	wrdreg $0xC0  }
0xac: {  	_ =	task [dreg:s8], $0x5FFFF  }
0xad: {  	[dreg:$0x1] =	wrdreg $0xFFFFFFFF  }
0xae: {  	[dreg:$0x0] =	wrdreg $0x60  }
0xaf: {  	[dreg:$0x2] =	wrdreg s2  }
0xb0: {  	[dreg:$0x3] =	wrdreg s24  }
0xb1: {  	[dreg:$0x4] =	wrdreg s18  }
0xb2: {  	[dreg:$0x5] =	wrdreg $0x0  }
0xb3: {  	[dreg:$0x6] =	wrdreg $0x169000  }
0xb4: {  	[dreg:$0x7] =	wrdreg $0x9  }
0xb5: {  	_ =	task.clear_ibuf [dreg:s8], $0x8FFFF;
	_ =	strace $0x90000046  }
0xb6: {  	s29 =	simm.s32 $0x9;
	_ =	strace $0x80000048  }
0xb7: {  	_ =	swait.ge [sflag:s29], $0x1  }
0xb8: {  	[sflag:s29] =	ssyncadd.s32 $0xFFFFFFFF  }
0xb9: {  	_ =	strace $0x90000048  }
0xba: {  	_ =	sfence  }
0xbb: {  	s30 =	sld [smem:$0x0];
	_ =	sdelay $0x2  }
0xbc: {  	s31 =	sshll.u32 s1, $0xD;
	s1 =	sshrl.u32 s1, $0x2  }
0xbd: {  	s3 =	sand.u32 $0x4000, s31;
	s1 =	sadd.s32 s1, s30  }
0xbe: {  	s0 =	sor.u32 s3, s0;
	s1 =	sshll.u32 s1, $0x11  }
0xbf: {  	s0 =	sor.u32 s1, s0  }
0xc0: {  	s0 =	sadd.s32 $0x8F2B, s0  }
0xc1: {  	[sflag:s0] =	ssyncadd.remote.s32 $0x1  }
0xc2: {  	_ =	sfence.sel $0xFFFF  }
0xc3: {  	[dreg:$0x0] =	wrdreg $0xFFFFFFFF;
	(pc) =	sbr.abs _section_cstart, $3  }
0xc4: {  	[dreg:$0x1] =	wrdreg $0xFFFFFFFF  }
0xc5: {  	_ =	task.clear_ibuf [dreg:s8], $0x2FFFF;
	_ =	strace $0x9FFFFFFF  }
0xc6: {  	(tm) =	ssettm $0x7FFFFFFF  }
0xc7: {  	_ =	shalt  }
tec
execute0_lowered:
.L_overlay_start_1:
0x0: {  	(tag) =	ssettag $0x1  }
0x1: {  	s0 =	rddreg [dreg:$0x0]  }
0x2: {  	s2 =	rddreg [dreg:$0x1];
	s22 =	stileid.u32  }
0x3: {  	s16 =	rddreg [dreg:$0x2];
	s7 =	smul.u32 $0x2710, s22  }
0x4: {  	s1 =	srdreg.scid;
	s9 =	smul.u32 $0x14000, s22  }
0x5: {  	s3 =	rddreg [dreg:$0x3];
	s24 =	smul.u32 $0xA00, s22  }
0x6: {  	s4 =	rddreg [dreg:$0x4];
	s5 =	simm.s32 $0x0;
	s25 =	smul.u32 $0x50000, s22  }
0x7: {  	s21 =	simm.s32 $0x2;
	s12 =	sand.u32 $0x1, s1;
	s14 =	smul.u32 $0x500, s22  }
0x8: {  	s28 =	simm.s32 $0x16B80;
	s31 =	simm.s32 $0x0;
	s6 =	smul.u32 $0x27100, s12  }
0x9: {  	[smem:$0x7FF] =	sst s5;
	s22 =	simm.s32 $0x14100;
	s8 =	smul.u32 $0x140000, s12  }
0xa: {  	_ =	strace $0x80000047;
	s26 =	ssub.s32 $0x2, s12;
	s15 =	sshll.u32 s12, $0x7  }
0xb: {  	s29 =	sshrl.u32 s26, $0x1;
	s18 =	sor.u32 s15, s14;
	s6 =	sadd.s32 s7, s6  }
0xc: {  	s23 =	sadd.s32 s9, s8;
	s8 =	sshrl.u32 s24, $0x2;
	s9 =	sshrl.u32 s25, $0x2  }
0xd: {  	s17 =	ssub.s32 s26, s29;
	s30 =	sshrl.u32 s18, $0x3;
	s24 =	simm.s32 $0x14080  }
0xe: {  	s25 =	simm.s32 $0x50;
	s26 =	simm.s32 $0x1;
	s6 =	sshrl.u32 s6, $0x3  }
0xf: {  	s7 =	sshrl.u32 s23, $0x3;
	s16 =	sadd.s32 s16, s30;
	s17 =	smax.u32 s17, $0x1  }
0x10: {  	s19 =	sadd.s32 s6, s2;
	s2 =	sadd.s32 s7, s2;
	s7 =	sadd.s32 s9, s3  }
0x11: {  	s23 =	simm.s32 $0x14000;
	s6 =	sadd.s32 s8, s4;
	s8 =	sadd.s32 $0x2800, s7  }
0x12: {  	s9 =	sadd.s32 $0x5000, s7;
	s10 =	sadd.s32 $0x7800, s7;
	s11 =	sadd.s32 $0xA000, s7  }
0x13: {  	s12 =	sadd.s32 $0xC800, s7;
	s13 =	sadd.s32 $0xF000, s7;
	s14 =	sadd.s32 $0x11800, s7  }
0x14: {  	v0 =	vimm.f32 $0.0e+00;
	v1 =	vimm.f32 $1.000000000e+00;
	s15 =	sadd.s32 $0x16600, s2;
	s18 =	sadd.s32 $0x2A00, s19;
	s19 =	sadd.s32 $0xC800, s19  }
.LBB2_1:
0x15: {  	s2 =	simm.s32 $0x0;
	s20 =	simm.s32 $0x200  }
.LBB2_2:
0x16: {  	p0 =	sne.s32 s20, $0x9E00;
	[tilespmem:s2+$0x14170] =	vst v0  }
0x17: {  	[tilespmem:s2+$0x14100] =	vst v0  }
0x18: {  	[tilespmem:s2+$0x14110] =	vst v0  }
.Ltmp0:
0x19: {  	[tilespmem:s2+$0x14120] =	vst v0;
	(pc) =	sbr.rel @p0 .LBB2_2-.Ltmp0, $4  }
0x1a: {  	[tilespmem:s2+$0x14130] =	vst v0  }
0x1b: {  	[tilespmem:s2+$0x14140] =	vst v0  }
0x1c: {  	[tilespmem:s2+$0x14150] =	vst v0  }
0x1d: {  	[tilespmem:s2+$0x14160] =	vst v0;
	s2 =	sshra.s32 s20, $0x2;
	s20 =	sadd.s32 $0x200, s20  }
0x1e: {  	[tilespmem:s2+$0x14170] =	vst v0  }
0x1f: {  	[tilespmem:s2+$0x14100] =	vst v0  }
0x20: {  	[tilespmem:s2+$0x14110] =	vst v0  }
0x21: {  	[tilespmem:s2+$0x14120] =	vst v0  }
0x22: {  	[tilespmem:s2+$0x14130] =	vst v0  }
0x23: {  	[tilespmem:s2+$0x14140] =	vst v0  }
0x24: {  	[tilespmem:s2+$0x14150] =	vst v0  }
0x25: {  	[tilespmem:s2+$0x14160] =	vst v0  }
0x26: {  	[tilespmem:$0x16C00] =	vst v0  }
0x27: {  	[tilespmem:$0x16C10] =	vst v0  }
0x28: {  	[tilespmem:$0x16C20] =	vst v0  }
0x29: {  	[tilespmem:$0x16C30] =	vst v0  }
0x2a: {  	[tilespmem:$0x16C40] =	vst v0  }
0x2b: {  	[tilespmem:$0x16C50] =	vst v0  }
0x2c: {  	[tilespmem:$0x16C60] =	vst v0  }
0x2d: {  	[tilespmem:$0x16C70] =	vst v0  }
0x2e: {  	[tilespmem:$0x16C80] =	vst v0  }
0x2f: {  	[tilespmem:$0x16C90] =	vst v0  }
0x30: {  	[tilespmem:$0x16CA0] =	vst v0  }
0x31: {  	[tilespmem:$0x16CB0] =	vst v0  }
0x32: {  	[tilespmem:$0x16CC0] =	vst v0  }
0x33: {  	[tilespmem:$0x16CD0] =	vst v0  }
0x34: {  	[tilespmem:$0x16CE0] =	vst v0  }
0x35: {  	[tilespmem:$0x16CF0] =	vst v0  }
0x36: {  	[tilespmem:$0x16D00] =	vst v0  }
0x37: {  	[tilespmem:$0x16D10] =	vst v0  }
0x38: {  	[tilespmem:$0x16D20] =	vst v0  }
0x39: {  	[tilespmem:$0x16D30] =	vst v0  }
0x3a: {  	[tilespmem:$0x16D40] =	vst v0  }
0x3b: {  	[tilespmem:$0x16D50] =	vst v0  }
0x3c: {  	[tilespmem:$0x16D60] =	vst v0  }
0x3d: {  	[tilespmem:$0x16D70] =	vst v0  }
0x3e: {  	[tilespmem:$0x16D80] =	vst v0  }
0x3f: {  	[tilespmem:$0x16D90] =	vst v0  }
0x40: {  	[tilespmem:$0x16DA0] =	vst v0  }
0x41: {  	[tilespmem:$0x16DB0] =	vst v0  }
0x42: {  	[tilespmem:$0x16DC0] =	vst v0  }
0x43: {  	[tilespmem:$0x16DD0] =	vst v0  }
0x44: {  	[tilespmem:$0x16DE0] =	vst v0  }
0x45: {  	[tilespmem:$0x16DF0] =	vst v0  }
0x46: {  	[tilespmem:$0x16E00] =	vst v0  }
0x47: {  	[tilespmem:$0x16E10] =	vst v0  }
0x48: {  	[tilespmem:$0x16E20] =	vst v0  }
0x49: {  	[tilespmem:$0x16E30] =	vst v0  }
0x4a: {  	[tilespmem:$0x16E40] =	vst v0  }
0x4b: {  	[tilespmem:$0x16E50] =	vst v0  }
0x4c: {  	[tilespmem:$0x16E60] =	vst v0  }
0x4d: {  	[tilespmem:$0x16E70] =	vst v0  }
0x4e: {  	[tilespmem:$0x16B80] =	vst v1  }
0x4f: {  	[tilespmem:$0x16B90] =	vst v1  }
0x50: {  	[tilespmem:$0x16BA0] =	vst v1  }
0x51: {  	[tilespmem:$0x16BB0] =	vst v1  }
0x52: {  	s1 =	simm.s32 $0x16C00;
	[tilespmem:$0x16BC0] =	vst v1  }
0x53: {  	[spmem:s6] =	stream.linear.scatter [tilespmem:s1], [sflag:$0x2], $0x280, $0x38;
	[tilespmem:$0x16E80] =	vst v63  }
0x54: {  	_ =	swait.ge [sflag:s21], $0x280  }
0x55: {  	[sflag:s21] =	ssyncset.done $0x0  }
0x56: {  	[sflag:s21] =	ssyncadd.s32 $0xFFFFFD80  }
0x57: {  	[spmem:s7] =	stream.linear.scatter [tilespmem:s22], [sflag:$0x2], $0x2800, $0x38;
	[tilespmem:$0x16E80] =	vst v63  }
0x58: {  	_ =	swait.ge [sflag:s21], $0x2800  }
0x59: {  	[sflag:s21] =	ssyncset.done $0x0  }
0x5a: {  	[sflag:s21] =	ssyncadd.s32 $0xFFFFD800  }
0x5b: {  	[spmem:s8] =	stream.linear.scatter [tilespmem:s22], [sflag:$0x2], $0x2800, $0x38;
	[tilespmem:$0x16E80] =	vst v63  }
0x5c: {  	_ =	swait.ge [sflag:s21], $0x2800  }
0x5d: {  	[sflag:s21] =	ssyncset.done $0x0  }
0x5e: {  	[sflag:s21] =	ssyncadd.s32 $0xFFFFD800  }
0x5f: {  	[spmem:s9] =	stream.linear.scatter [tilespmem:s22], [sflag:$0x2], $0x2800, $0x38;
	[tilespmem:$0x16E80] =	vst v63  }
0x60: {  	_ =	swait.ge [sflag:s21], $0x2800  }
0x61: {  	[sflag:s21] =	ssyncset.done $0x0  }
0x62: {  	[sflag:s21] =	ssyncadd.s32 $0xFFFFD800  }
0x63: {  	[spmem:s10] =	stream.linear.scatter [tilespmem:s22], [sflag:$0x2], $0x2800, $0x38;
	[tilespmem:$0x16E80] =	vst v63  }
0x64: {  	_ =	swait.ge [sflag:s21], $0x2800  }
0x65: {  	[sflag:s21] =	ssyncset.done $0x0  }
0x66: {  	[sflag:s21] =	ssyncadd.s32 $0xFFFFD800  }
0x67: {  	[spmem:s11] =	stream.linear.scatter [tilespmem:s22], [sflag:$0x2], $0x2800, $0x38;
	[tilespmem:$0x16E80] =	vst v63  }
0x68: {  	_ =	swait.ge [sflag:s21], $0x2800  }
0x69: {  	[sflag:s21] =	ssyncset.done $0x0  }
0x6a: {  	[sflag:s21] =	ssyncadd.s32 $0xFFFFD800  }
0x6b: {  	[spmem:s12] =	stream.linear.scatter [tilespmem:s22], [sflag:$0x2], $0x2800, $0x38;
	[tilespmem:$0x16E80] =	vst v63  }
0x6c: {  	_ =	swait.ge [sflag:s21], $0x2800  }
0x6d: {  	[sflag:s21] =	ssyncset.done $0x0  }
0x6e: {  	[sflag:s21] =	ssyncadd.s32 $0xFFFFD800  }
0x6f: {  	[spmem:s13] =	stream.linear.scatter [tilespmem:s22], [sflag:$0x2], $0x2800, $0x38;
	[tilespmem:$0x16E80] =	vst v63  }
0x70: {  	_ =	swait.ge [sflag:s21], $0x2800  }
0x71: {  	[sflag:s21] =	ssyncset.done $0x0  }
0x72: {  	[sflag:s21] =	ssyncadd.s32 $0xFFFFD800  }
0x73: {  	[spmem:s14] =	stream.linear.scatter [tilespmem:s22], [sflag:$0x2], $0x2800, $0x38;
	[tilespmem:$0x16E80] =	vst v63  }
0x74: {  	_ =	swait.ge [sflag:s21], $0x2800  }
0x75: {  	[sflag:s21] =	ssyncset.done $0x0  }
0x76: {  	[sflag:s21] =	ssyncadd.s32 $0xFFFFD800  }
0x77: {  	s29 =	sadd.s32 $0x0, s19;
	[bflag:$0x0] =	sbarrier.arrive $0xFFFF  }
0x78: {  	[tilespmem:s23], [sflag:$0x2] =	stream.linear.gather [hbm4b:s29+s5], $0x50, $0x38;
	[tilespmem:$0x16E80] =	vst v63  }
0x79: {  	_ =	swait.ge [sflag:s21], $0x50  }
0x7a: {  	[sflag:s21] =	ssyncset.done $0x0  }
0x7b: {  	s30 =	sadd.s32 $0x0, s18;
	[sflag:s21] =	ssyncadd.s32 $0xFFFFFFB0  }
0x7c: {  	[tilespmem:s24], [sflag:$0x2] =	stream.linear.gather [hbm4b:s30+s5], $0x50, $0x38;
	[tilespmem:$0x16E80] =	vst v63  }
0x7d: {  	_ =	swait.ge [sflag:s21], $0x50  }
0x7e: {  	[sflag:s21] =	ssyncset.done $0x0  }
0x7f: {  	[sflag:s21] =	ssyncadd.s32 $0xFFFFFFB0  }
0x80: {  	[tilespmem:s22], [sflag:$0x1] =	stream.indirect.gather [hbm4b:s0+s25], $0x80, s23, s25, $0xb8;
	[tilespmem:$0x16E80] =	vst v63  }
0x81: {  	_ =	swait.ge [sflag:s26], $0x2800  }
0x82: {  	[sflag:s26] =	ssyncset.done $0x0  }
0x83: {  	[sflag:s26] =	ssyncadd.s32 $0xFFFFD800  }
0x84: {  	[spmem:s3] =	stream.indirect.scatter.add.f32 [tilespmem:s22], [sflag:$0x2], $0x80, s24, s25, $0xb8;
	[tilespmem:$0x16E80] =	vst v63  }
0x85: {  	_ =	swait.ge [sflag:s21], $0x2800  }
0x86: {  	[sflag:s21] =	ssyncset.done $0x0  }
0x87: {  	[sflag:s21] =	ssyncadd.s32 $0xFFFFD800  }
0x88: {  	[spmem:s4] =	stream.indirect.scatter.add.f32 [tilespmem:s28], [sflag:$0x2], $0x1, s24, s25, $0xb8;
	[tilespmem:$0x16E80] =	vst v63  }
0x89: {  	_ =	swait.ge [sflag:s21], $0x50  }
0x8a: {  	s2 =	simm.s32 $0xA;
	s20 =	simm.s32 $0x14;
	[sflag:s21] =	ssyncset.done $0x0  }
.LBB2_4:
0x8b: {  	s1 =	sadd.s32 s2, s19  }
0x8c: {  	[sflag:s21] =	ssyncadd.s32 $0xFFFFFFB0;
	s29 =	smov.u32 s20;
	s30 =	sadd.s32 $0xA, s20  }
0x8d: {  	[tilespmem:s23], [sflag:$0x2] =	stream.linear.gather [hbm4b:s1+s5], $0x50, $0x38;
	[tilespmem:$0x16E80] =	vst v63  }
0x8e: {  	p0 =	sne.s32 s20, $0x4D8;
	_ =	swait.ge [sflag:s21], $0x50  }
0x8f: {  	[sflag:s21] =	ssyncset.done $0x0  }
0x90: {  	s1 =	sadd.s32 s2, s18;
	s2 =	smov.u32 s29;
	[sflag:s21] =	ssyncadd.s32 $0xFFFFFFB0  }
0x91: {  	[tilespmem:s24], [sflag:$0x2] =	stream.linear.gather [hbm4b:s1+s5], $0x50, $0x38;
	[tilespmem:$0x16E80] =	vst v63  }
0x92: {  	_ =	swait.ge [sflag:s21], $0x50  }
0x93: {  	[sflag:s21] =	ssyncset.done $0x0  }
0x94: {  	[sflag:s21] =	ssyncadd.s32 $0xFFFFFFB0  }
0x95: {  	[tilespmem:s22], [sflag:$0x1] =	stream.indirect.gather [hbm4b:s0+s25], $0x80, s23, s25, $0xb8;
	[tilespmem:$0x16E80] =	vst v63  }
0x96: {  	_ =	swait.ge [sflag:s26], $0x2800  }
0x97: {  	[sflag:s26] =	ssyncset.done $0x0  }
0x98: {  	[sflag:s26] =	ssyncadd.s32 $0xFFFFD800  }
0x99: {  	[spmem:s3] =	stream.indirect.scatter.add.f32 [tilespmem:s22], [sflag:$0x2], $0x80, s24, s25, $0xb8;
	[tilespmem:$0x16E80] =	vst v63  }
0x9a: {  	_ =	swait.ge [sflag:s21], $0x2800  }
.Ltmp1:
0x9b: {  	[sflag:s21] =	ssyncset.done $0x0;
	(pc) =	sbr.rel @p0 .LBB2_4-.Ltmp1, $4  }
0x9c: {  	[sflag:s21] =	ssyncadd.s32 $0xFFFFD800  }
0x9d: {  	[spmem:s4] =	stream.indirect.scatter.add.f32 [tilespmem:s28], [sflag:$0x2], $0x1, s24, s25, $0xb8;
	[tilespmem:$0x16E80] =	vst v63  }
0x9e: {  	_ =	swait.ge [sflag:s21], $0x50  }
0x9f: {  	s20 =	smov.u32 s30;
	[sflag:s21] =	ssyncset.done $0x0  }
0xa0: {  	s1 =	sadd.s32 s2, s19;
	[sflag:s21] =	ssyncadd.s32 $0xFFFFFFB0  }
0xa1: {  	[tilespmem:s23], [sflag:$0x2] =	stream.linear.gather [hbm4b:s1+s5], $0x50, $0x38;
	[tilespmem:$0x16E80] =	vst v63  }
0xa2: {  	_ =	swait.ge [sflag:s21], $0x50  }
0xa3: {  	[sflag:s21] =	ssyncset.done $0x0  }
0xa4: {  	s2 =	sadd.s32 s2, s18;
	[sflag:s21] =	ssyncadd.s32 $0xFFFFFFB0  }
0xa5: {  	[tilespmem:s24], [sflag:$0x2] =	stream.linear.gather [hbm4b:s2+s5], $0x50, $0x38;
	[tilespmem:$0x16E80] =	vst v63  }
0xa6: {  	_ =	swait.ge [sflag:s21], $0x50  }
0xa7: {  	[sflag:s21] =	ssyncset.done $0x0  }
0xa8: {  	[sflag:s21] =	ssyncadd.s32 $0xFFFFFFB0  }
0xa9: {  	[tilespmem:s22], [sflag:$0x1] =	stream.indirect.gather [hbm4b:s0+s25], $0x80, s23, s25, $0xb8;
	[tilespmem:$0x16E80] =	vst v63  }
0xaa: {  	_ =	swait.ge [sflag:s26], $0x2800  }
0xab: {  	[sflag:s26] =	ssyncset.done $0x0  }
0xac: {  	[sflag:s26] =	ssyncadd.s32 $0xFFFFD800  }
0xad: {  	[spmem:s3] =	stream.indirect.scatter.add.f32 [tilespmem:s22], [sflag:$0x2], $0x80, s24, s25, $0xb8;
	[tilespmem:$0x16E80] =	vst v63  }
0xae: {  	_ =	swait.ge [sflag:s21], $0x2800  }
0xaf: {  	[sflag:s21] =	ssyncset.done $0x0  }
0xb0: {  	[sflag:s21] =	ssyncadd.s32 $0xFFFFD800  }
0xb1: {  	[spmem:s4] =	stream.indirect.scatter.add.f32 [tilespmem:s28], [sflag:$0x2], $0x1, s24, s25, $0xb8;
	[tilespmem:$0x16E80] =	vst v63  }
0xb2: {  	_ =	swait.ge [sflag:s21], $0x50  }
0xb3: {  	s20 =	stileid.u32;
	[sflag:s21] =	ssyncset.done $0x0  }
0xb4: {  	s1 =	sshll.u32 s20, $0x6;
	[sflag:s21] =	ssyncadd.s32 $0xFFFFFFB0  }
0xb5: {  	s29 =	sshrl.u32 s7, $0x3;
	s1 =	sor.u32 $0x1C02, s1;
	[bflag:$0x0] =	sbarrier.arrive $0xFFFF  }
0xb6: {  	[hbm:s15], [sflag:s1] =	dma.local [spmem:s29], $0x2800  }
0xb7: {  	s30 =	sshrl.u32 s6, $0x3;
	s31 =	sadd.s32 $0x1, s31;
	_ =	swait.ge [sflag:s21], $0x2800  }
0xb8: {  	s20 =	simm.s32 $0x20;
	p0 =	sne.s32 s31, s17;
	[sflag:s21] =	ssyncset.done $0x0  }
.Ltmp2:
0xb9: {  	s29 =	simm.s32 $0x10;
	[sflag:s21] =	ssyncadd.s32 $0xFFFFD800;
	(pc) =	sbr.rel @p0 .LBB2_1-.Ltmp2, $4  }
0xba: {  	[hbm:s16@s20], [sflag:s1] =	dma.strided [spmem:s30@s29], $0x50, s26, $0x10   }
0xbb: {  	_ =	swait.ge [sflag:s21], $0x50  }
0xbc: {  	[sflag:s21] =	ssyncset.done $0x0  }
0xbd: {  	[sflag:s21] =	ssyncadd.s32 $0xFFFFFFB0  }
0xbe: {  	_ =	sfence.sel $0x180000  }
0xbf: {  	[bflag:$0x0] =	sbarrier.arrive $0xFFFF  }
0xc0: {  	_ =	strace $0x90000047  }
0xc1: {  	s0 =	stileid.u32;
	[bflag:$0x2] =	sbarrier.arrive $0xFFFF  }
0xc2: {  	p0 =	sne.s32 s0, $0x0;
	s0 =	rddreg [dreg:$0x5]  }
0xc3: {  	s0 =	sadd.s32 @!p0 $0x100000, s0  }
0xc4: {  	[sflag:s0] =	ssyncadd.tile.s32 @!p0 $0x1;
	_ =	shalt  }
.Lfunc_end2:
_tile_overlayer_lowered:
.L_overlay_start_2:
0xc5: {  	(tag) =	ssettag $0x2  }
0xc6: {  	s0 =	rddreg [dreg:$0x0];
	s2 =	stileid.u32  }
0xc7: {  	s1 =	rddreg [dreg:$0x1];
	p0 =	sne.s32 s2, $0x0  }
0xc8: {  	s3 =	rddreg [dreg:$0x2];
	[bflag:$0x3] =	sbarrier.arrive $0xFFFF;
	s2 =	simm.s32 @!p0 $0x1C02  }
0xc9: {  	[timem:s3], [sflag:s2] =	dma.local @!p0 [hbm:s0], s1  }
0xca: {  	s0 =	simm.s32 @!p0 $0x2  }
0xcb: {  	_ =	swait.ge @!p0 [sflag:s0], s1  }
0xcc: {  	s1 =	ssub.s32 @!p0 $0x0, s1;
	[sflag:s0] =	ssyncset.done @!p0 $0x0  }
0xcd: {  	[sflag:s0] =	ssyncadd.s32 @!p0 s1  }
0xce: {  	[bflag:$0x3] =	sbarrier.arrive $0xFFFF  }
0xcf: {  	_ =	shalt  }

// kernel: kernel.9.cloned.1.call-start
scs
__scs_entry_jumppad:
0x0: {  	(pc) =	sbr.rel $0x88, $3  }
0x1: {  	(tag) =	ssettag $0x0;
	lr =	simm.s32 $0x1  }
0x2: {  	[smem:$0x3F93] =	sst lr;
	_ =	strace $0xD0000000  }
0x3: {  	_ = 	snop  }
0x4: {  	_ = 	snop  }
0x5: {  	_ = 	snop  }
0x6: {  	_ = 	snop  }
0x7: {  	_ = 	snop  }
__scs_overlays_trampoline_lowered:
0x8: {  	[smem:$0x3FA2] =	sst s0  }
0x9: {  	[smem:$0x3FA3] =	sst s1  }
0xa: {  	[smem:$0x3FA4] =	sst s2  }
0xb: {  	[smem:$0x3FA5] =	sst s3  }
0xc: {  	[smem:$0x3FA6] =	sst s4  }
0xd: {  	[smem:$0x3FA7] =	sst s5  }
0xe: {  	[smem:$0x3FA8] =	sst s6  }
0xf: {  	[smem:$0x3FA9] =	sst s7  }
0x10: {  	[smem:$0x3FAA] =	sst s8  }
0x11: {  	[smem:$0x3FAB] =	sst s9;
	s0 =	simm.s32 @!p0 $0x0  }
0x12: {  	s1 =	sld [smem:$0x3F91];
	s0 =	simm.s32 @p0 $0x1  }
0x13: {  	[smem:$0x3FAC] =	sst s0;
	s0 =	simm.s32 @!p1 $0x0  }
0x14: {  	s2 =	sld [smem:$0x3F90];
	s0 =	simm.s32 @p1 $0x1  }
0x15: {  	[smem:$0x3FAD] =	sst s0;
	s0 =	simm.s32 @!p2 $0x0  }
0x16: {  	s3 =	sld [smem:$0x3FDB];
	s0 =	simm.s32 @p2 $0x1  }
0x17: {  	s4 =	simm.s32 $0x1BF5;
	[smem:$0x3FAF] =	sst s0  }
0x18: {  	s0 =	sld [smem:$0x3F92];
	_ =	swait.ge [sflag:s4], $0x0  }
0x19: {  	s7 =	sld [smem:$0x3F93]  }
0x1a: {  	s8 =	sadd.s32 $0xFFFFE003, lr  }
0x1b: {  	s9 =	sadd.s32 $0xFFFFFEF7, lr;
	s5 =	simm.s32 $0xFFFFFFFF;
	p2 =	slt.u32 s8, $0xFFFFF086  }
0x1c: {  	p1 =	slt.u32 s9, $0xF7A;
	s5 =	simm.s32 @!p2 $0x0  }
0x1d: {  	s5 =	simm.s32 @p1 $0x1;
	p0 =	seq.s32 s7, s2  }
0x1e: {  	s7 =	smul.u32 @!p0 $0xF7A, s2;
	p2 =	seq.s32 @!p0 s5, $0x0  }
0x1f: {  	s9 =	smul.u32 $0xF7A, s1;
	s8 =	simm.s32 @!p0 $0x1BF5;
	p2 =	por !p2, p0  }
0x20: {  	[sflag:s8] =	ssyncset.s32 @!p0 $0xFFFFF086;
	s6 =	sadd.s32 @!p0 s3, s7;
	s7 =	simm.s32 @!p0 $0x108  }
0x21: {  	s3 =	sadd.s32 s3, s9;
	s6 =	sadd.s32 @!p0 $0x88, s6;
	s7 =	simm.s32 @p2 $0x1082  }
0x22: {  	[simem:s7], [sflag:s8] =	dma.local @!p0 [hbm:s6], $0xF7A  }
0x23: {  	s9 =	sor.u32 $0xD0000000, s2;
	s6 =	simm.s32 $0x108;
	_ =	swait.ge @!p0 [sflag:s8], $0x0  }
0x24: {  	s3 =	sadd.s32 $0x88, s3;
	s6 =	simm.s32 @!p1 $0x1082;
	[sflag:s4] =	ssyncset.s32 $0xFFFFF086  }
0x25: {  	[simem:s6], [sflag:s4] =	dma.local [hbm:s3], $0xF7A  }
0x26: {  	[smem:$0x3F93] =	sst s1;
	(tag) =	ssettag s2;
	_ =	strace s9  }
0x27: {  	s1 =	sld [smem:$0x3FA3]  }
0x28: {  	s2 =	sld [smem:$0x3FA4]  }
0x29: {  	s4 =	sld [smem:$0x3FA6]  }
0x2a: {  	p0 =	seq.s32 s5, $0x0;
	s5 =	sld [smem:$0x3FA7]  }
0x2b: {  	s6 =	sld [smem:$0x3FA8]  }
0x2c: {  	s7 =	sld [smem:$0x3FA9]  }
0x2d: {  	s3 =	simm.s32 $0x108;
	s8 =	sld [smem:$0x3FAA]  }
0x2e: {  	s3 =	simm.s32 @!p0 $0x1082;
	s9 =	sld [smem:$0x3FAB]  }
0x2f: {  	lr =	sadd.s32 s0, s3;
	s0 =	sld [smem:$0x3FA2]  }
0x30: {  	s3 =	sld [smem:$0x3FA5]  }
0x31: {  	[smem:$0x3FAE] =	sst s10  }
0x32: {  	s10 =	sld [smem:$0x3FAC];
	_ =	sdelay $0x3  }
0x33: {  	p0 =	seq.s32 s10, $0x1;
	s10 =	sld [smem:$0x3FAE];
	_ =	sdelay $0x3  }
0x34: {  	[smem:$0x3FAE] =	sst s10  }
0x35: {  	s10 =	sld [smem:$0x3FAD];
	_ =	sdelay $0x3  }
0x36: {  	p1 =	seq.s32 s10, $0x1;
	s10 =	sld [smem:$0x3FAE];
	_ =	sdelay $0x3  }
0x37: {  	[smem:$0x3FAE] =	sst s10  }
0x38: {  	s10 =	sld [smem:$0x3FAF]  }
0x39: {  	_ = 	snop;
	(pc) =	sbr.ind lr, $3  }
0x3a: {  	_ = 	snop  }
0x3b: {  	_ = 	snop  }
0x3c: {  	p2 =	seq.s32 s10, $0x1;
	s10 =	sld [smem:$0x3FAE]  }
0x3d: {  	_ =	shalt  }
0x3e: {  	_ =	shalt  }
0x3f: {  	_ =	shalt  }
0x40: {  	_ =	shalt  }
0x41: {  	_ =	shalt  }
0x42: {  	_ =	shalt  }
0x43: {  	_ =	shalt  }
0x44: {  	_ =	shalt  }
0x45: {  	_ =	shalt  }
0x46: {  	_ =	shalt  }
0x47: {  	_ =	shalt  }
0x48: {  	_ =	shalt  }
0x49: {  	_ =	shalt  }
0x4a: {  	_ =	shalt  }
0x4b: {  	_ =	shalt  }
0x4c: {  	_ =	shalt  }
0x4d: {  	_ =	shalt  }
0x4e: {  	_ =	shalt  }
0x4f: {  	_ =	shalt  }
0x50: {  	_ =	shalt  }
0x51: {  	_ =	shalt  }
0x52: {  	_ =	shalt  }
0x53: {  	_ =	shalt  }
0x54: {  	_ =	shalt  }
0x55: {  	_ =	shalt  }
0x56: {  	_ =	shalt  }
0x57: {  	_ =	shalt  }
0x58: {  	_ =	shalt  }
0x59: {  	_ =	shalt  }
0x5a: {  	_ =	shalt  }
0x5b: {  	_ =	shalt  }
0x5c: {  	_ =	shalt  }
0x5d: {  	_ =	shalt  }
0x5e: {  	_ =	shalt  }
0x5f: {  	_ =	shalt  }
0x60: {  	_ =	shalt  }
0x61: {  	_ =	shalt  }
0x62: {  	_ =	shalt  }
0x63: {  	_ =	shalt  }
0x64: {  	_ =	shalt  }
0x65: {  	_ =	shalt  }
0x66: {  	_ =	shalt  }
0x67: {  	_ =	shalt  }
0x68: {  	_ =	shalt  }
0x69: {  	_ =	shalt  }
0x6a: {  	_ =	shalt  }
0x6b: {  	_ =	shalt  }
0x6c: {  	_ =	shalt  }
0x6d: {  	_ =	shalt  }
0x6e: {  	_ =	shalt  }
0x6f: {  	_ =	shalt  }
0x70: {  	_ =	shalt  }
0x71: {  	_ =	shalt  }
0x72: {  	_ =	shalt  }
0x73: {  	_ =	shalt  }
0x74: {  	_ =	shalt  }
0x75: {  	_ =	shalt  }
0x76: {  	_ =	shalt  }
0x77: {  	_ =	shalt  }
0x78: {  	_ =	shalt  }
0x79: {  	_ =	shalt  }
0x7a: {  	_ =	shalt  }
0x7b: {  	_ =	shalt  }
0x7c: {  	_ =	shalt  }
0x7d: {  	_ =	shalt  }
0x7e: {  	_ =	shalt  }
0x7f: {  	_ =	shalt  }
0x80: {  	_ =	shalt  }
0x81: {  	_ =	shalt  }
0x82: {  	_ =	shalt  }
0x83: {  	_ =	shalt  }
0x84: {  	_ =	shalt  }
0x85: {  	_ =	shalt  }
0x86: {  	_ =	shalt  }
0x87: {  	_ =	shalt  }
.Lfunc_end0:
.L_simem_size_0:
called_computation.1_lowered:
.L_overlay_start_0:
0x88: {  	s2 =	sld [smem:$0x3FD9]  }
0x89: {  	s3 =	sld [smem:$0x3FFE];
	_ =	sdelay $0x1  }
0x8a: {  	s1 =	srdreg.scid  }
0x8b: {  	s0 =	sand.u32 $0x1, s1  }
0x8c: {  	s17 =	sshll.u32 s0, $0xA;
	s2 =	sadd.s32 s3, s2  }
0x8d: {  	s2 =	sadd.s32 s2, s17  }
0x8e: {  	[smem:$0x3FBA] =	sst s2  }
0x8f: {  	_ = 	snop  }
0x90: {  	s2 =	sld [smem:$0x3FD0];
	(tm) =	ssettm $0x1  }
0x91: {  	s18 =	sld [smem:$0x3FFB];
	_ =	sdelay $0x3  }
0x92: {  	_ =	strace s18  }
0x93: {  	s3 =	sld [smem:$0x3FFC];
	_ =	sdelay $0x3  }
0x94: {  	_ =	strace s3  }
0x95: {  	s3 =	sld [smem:$0x3FFD];
	_ =	sdelay $0x3  }
0x96: {  	_ =	strace s3  }
0x97: {  	_ =	strace $0x8FFFFFFF  }
0x98: {  	s19 =	sld [smem:$0x3FDB];
	_ =	sdelay $0x1  }
0x99: {  	s4 =	simm.s32 $_scs_section_size  }
0x9a: {  	s5 =	simm.s32 $_size__tile_overlayer_lowered;
	s6 =	simm.s32 $_tile_overlayer_lowered  }
0x9b: {  	s22 =	simm.s32 $0x1BFF;
	s21 =	sshll.u32 s6, $0x1;
	s3 =	sadd.s32 s4, s19  }
0x9c: {  	s7 =	simm.s32 $0x0;
	s20 =	sshll.u32 s5, $0x1;
	s5 =	sadd.s32 s21, s3  }
0x9d: {  	[timem:s7], [sflag:s22] =	dma.local [hbm:s5], s20  }
0x9e: {  	_ =	swait.ge [sflag:s22], s20  }
0x9f: {  	s4 =	ssub.s32 $0x0, s20;
	[sflag:s22] =	ssyncset.done $0x0  }
0xa0: {  	[sflag:s22] =	ssyncadd.s32 s4;
	_ =	sdelay $0x1  }
0xa1: {  	s23 =	simm.s32 $0x1B8B  }
0xa2: {  	_ =	swait.ge [sflag:s23], $0x1  }
0xa3: {  	[sflag:s23] =	ssyncset.done $0x0  }
0xa4: {  	s25 =	simm.s32 $0x1B8E;
	s24 =	sld [smem:$0x3FFE];
	[sflag:s23] =	ssyncadd.s32 $0xFFFFFFFF  }
0xa5: {  	s26 =	simm.s32 $execute0_lowered;
	[smem:$0x3FD2] =	sst s25  }
0xa6: {  	s5 =	sshll.u32 s26, $0x1;
	_ =	strace $0x80000049;
	[dreg:$0x1] =	wrdreg $0xFFFFFFFF  }
0xa7: {  	s28 =	simm.s32 $_size_execute0_lowered;
	s3 =	sadd.s32 s3, s5;
	[dreg:$0x0] =	wrdreg $0x0  }
0xa8: {  	s5 =	sshll.u32 s28, $0x1;
	[dreg:$0x2] =	wrdreg s3  }
0xa9: {  	[dreg:$0x3] =	wrdreg s5  }
0xaa: {  	[dreg:$0x4] =	wrdreg $0xC0  }
0xab: {  	_ =	task [dreg:s7], $0x5FFFF  }
0xac: {  	[dreg:$0x1] =	wrdreg $0xFFFFFFFF  }
0xad: {  	[dreg:$0x0] =	wrdreg $0x60  }
0xae: {  	[dreg:$0x2] =	wrdreg s2  }
0xaf: {  	[dreg:$0x3] =	wrdreg s24  }
0xb0: {  	[dreg:$0x4] =	wrdreg $0x0  }
0xb1: {  	[dreg:$0x5] =	wrdreg $0x9  }
0xb2: {  	_ =	task.clear_ibuf [dreg:s7], $0x6FFFF;
	_ =	strace $0x90000049  }
0xb3: {  	s29 =	simm.s32 $0x9;
	_ =	strace $0x8000004B  }
0xb4: {  	_ =	swait.ge [sflag:s29], $0x1  }
0xb5: {  	[sflag:s29] =	ssyncadd.s32 $0xFFFFFFFF  }
0xb6: {  	_ =	strace $0x9000004B  }
0xb7: {  	_ =	sfence  }
0xb8: {  	s30 =	sld [smem:$0x0];
	_ =	sdelay $0x2  }
0xb9: {  	s31 =	sshll.u32 s1, $0xD;
	s1 =	sshrl.u32 s1, $0x2  }
0xba: {  	s3 =	sand.u32 $0x4000, s31;
	s1 =	sadd.s32 s1, s30  }
0xbb: {  	s0 =	sor.u32 s3, s0;
	s1 =	sshll.u32 s1, $0x11  }
0xbc: {  	s0 =	sor.u32 s1, s0  }
0xbd: {  	s0 =	sadd.s32 $0x8F2B, s0  }
0xbe: {  	[sflag:s0] =	ssyncadd.remote.s32 $0x1  }
0xbf: {  	_ =	sfence.sel $0xFFFF  }
0xc0: {  	[dreg:$0x0] =	wrdreg $0xFFFFFFFF;
	(pc) =	sbr.abs _section_cstart, $3  }
0xc1: {  	[dreg:$0x1] =	wrdreg $0xFFFFFFFF  }
0xc2: {  	_ =	task.clear_ibuf [dreg:s7], $0x2FFFF;
	_ =	strace $0x9FFFFFFF  }
0xc3: {  	(tm) =	ssettm $0x7FFFFFFF  }
tec
execute0_lowered:
.L_overlay_start_1:
0x0: {  	(tag) =	ssettag $0x1  }
0x1: {  	s1 =	rddreg [dreg:$0x0]  }
0x2: {  	s5 =	rddreg [dreg:$0x1]  }
0x3: {  	s3 =	rddreg [dreg:$0x2]  }
0x4: {  	s0 =	srdreg.scid;
	s2 =	rddreg [dreg:$0x3]  }
0x5: {  	s4 =	simm.s32 $0x0;
	s17 =	simm.s32 $0x14100;
	s6 =	sand.u32 $0x1, s0  }
0x6: {  	s18 =	simm.s32 $0x2;
	s0 =	stileid.u32;
	s7 =	smul.u32 $0x27100, s6  }
0x7: {  	s19 =	simm.s32 $0x14000;
	s20 =	simm.s32 $0x14080;
	s8 =	smul.u32 $0x2710, s0  }
0x8: {  	s21 =	simm.s32 $0x50;
	s22 =	simm.s32 $0x1;
	s9 =	smul.u32 $0x140000, s6  }
0x9: {  	s23 =	simm.s32 $0x0;
	[smem:$0x7FF] =	sst s4;
	s28 =	smul.u32 $0x14000, s0  }
0xa: {  	_ =	strace $0x8000004A;
	s10 =	smul.u32 $0x50000, s0;
	s6 =	ssub.s32 $0x2, s6  }
0xb: {  	s30 =	sshrl.u32 s6, $0x1;
	s7 =	sadd.s32 s8, s7;
	s29 =	sadd.s32 s28, s9  }
0xc: {  	s31 =	sshrl.u32 s10, $0x2;
	s14 =	ssub.s32 s6, s30;
	s7 =	sshrl.u32 s7, $0x3  }
0xd: {  	s14 =	smax.u32 s14, $0x1;
	s16 =	sadd.s32 s7, s5;
	s7 =	sshrl.u32 s29, $0x3  }
0xe: {  	s13 =	sadd.s32 s7, s5;
	s5 =	sadd.s32 s31, s3;
	s15 =	sadd.s32 $0x2A00, s16  }
0xf: {  	s16 =	sadd.s32 $0xC800, s16;
	s6 =	sadd.s32 $0x2800, s5;
	s7 =	sadd.s32 $0x5000, s5  }
0x10: {  	s8 =	sadd.s32 $0x7800, s5;
	s9 =	sadd.s32 $0xA000, s5;
	s10 =	sadd.s32 $0xC800, s5  }
0x11: {  	v0 =	vimm.f32 $0.0e+00;
	s11 =	sadd.s32 $0xF000, s5;
	s12 =	sadd.s32 $0x11800, s5;
	s13 =	sadd.s32 $0x16600, s13  }
.LBB2_1:
0x12: {  	s24 =	simm.s32 $0x0;
	s25 =	simm.s32 $0x200  }
.LBB2_2:
0x13: {  	p0 =	sne.s32 s25, $0x9E00;
	[tilespmem:s24+$0x14170] =	vst v0  }
0x14: {  	[tilespmem:s24+$0x14100] =	vst v0  }
0x15: {  	[tilespmem:s24+$0x14110] =	vst v0  }
.Ltmp0:
0x16: {  	[tilespmem:s24+$0x14120] =	vst v0;
	(pc) =	sbr.rel @p0 .LBB2_2-.Ltmp0, $4  }
0x17: {  	[tilespmem:s24+$0x14130] =	vst v0  }
0x18: {  	[tilespmem:s24+$0x14140] =	vst v0  }
0x19: {  	[tilespmem:s24+$0x14150] =	vst v0  }
0x1a: {  	[tilespmem:s24+$0x14160] =	vst v0;
	s24 =	sshra.s32 s25, $0x2;
	s25 =	sadd.s32 $0x200, s25  }
0x1b: {  	[tilespmem:s24+$0x14170] =	vst v0  }
0x1c: {  	[tilespmem:s24+$0x14100] =	vst v0  }
0x1d: {  	[tilespmem:s24+$0x14110] =	vst v0  }
0x1e: {  	[tilespmem:s24+$0x14120] =	vst v0  }
0x1f: {  	[tilespmem:s24+$0x14130] =	vst v0  }
0x20: {  	[tilespmem:s24+$0x14140] =	vst v0  }
0x21: {  	[tilespmem:s24+$0x14150] =	vst v0  }
0x22: {  	[tilespmem:s24+$0x14160] =	vst v0  }
0x23: {  	[spmem:s5] =	stream.linear.scatter [tilespmem:s17], [sflag:$0x2], $0x2800, $0x38;
	[tilespmem:$0x16900] =	vst v63  }
0x24: {  	_ =	swait.ge [sflag:s18], $0x2800  }
0x25: {  	[sflag:s18] =	ssyncset.done $0x0  }
0x26: {  	[sflag:s18] =	ssyncadd.s32 $0xFFFFD800  }
0x27: {  	[spmem:s6] =	stream.linear.scatter [tilespmem:s17], [sflag:$0x2], $0x2800, $0x38;
	[tilespmem:$0x16900] =	vst v63  }
0x28: {  	_ =	swait.ge [sflag:s18], $0x2800  }
0x29: {  	[sflag:s18] =	ssyncset.done $0x0  }
0x2a: {  	[sflag:s18] =	ssyncadd.s32 $0xFFFFD800  }
0x2b: {  	[spmem:s7] =	stream.linear.scatter [tilespmem:s17], [sflag:$0x2], $0x2800, $0x38;
	[tilespmem:$0x16900] =	vst v63  }
0x2c: {  	_ =	swait.ge [sflag:s18], $0x2800  }
0x2d: {  	[sflag:s18] =	ssyncset.done $0x0  }
0x2e: {  	[sflag:s18] =	ssyncadd.s32 $0xFFFFD800  }
0x2f: {  	[spmem:s8] =	stream.linear.scatter [tilespmem:s17], [sflag:$0x2], $0x2800, $0x38;
	[tilespmem:$0x16900] =	vst v63  }
0x30: {  	_ =	swait.ge [sflag:s18], $0x2800  }
0x31: {  	[sflag:s18] =	ssyncset.done $0x0  }
0x32: {  	[sflag:s18] =	ssyncadd.s32 $0xFFFFD800  }
0x33: {  	[spmem:s9] =	stream.linear.scatter [tilespmem:s17], [sflag:$0x2], $0x2800, $0x38;
	[tilespmem:$0x16900] =	vst v63  }
0x34: {  	_ =	swait.ge [sflag:s18], $0x2800  }
0x35: {  	[sflag:s18] =	ssyncset.done $0x0  }
0x36: {  	[sflag:s18] =	ssyncadd.s32 $0xFFFFD800  }
0x37: {  	[spmem:s10] =	stream.linear.scatter [tilespmem:s17], [sflag:$0x2], $0x2800, $0x38;
	[tilespmem:$0x16900] =	vst v63  }
0x38: {  	_ =	swait.ge [sflag:s18], $0x2800  }
0x39: {  	[sflag:s18] =	ssyncset.done $0x0  }
0x3a: {  	[sflag:s18] =	ssyncadd.s32 $0xFFFFD800  }
0x3b: {  	[spmem:s11] =	stream.linear.scatter [tilespmem:s17], [sflag:$0x2], $0x2800, $0x38;
	[tilespmem:$0x16900] =	vst v63  }
0x3c: {  	_ =	swait.ge [sflag:s18], $0x2800  }
0x3d: {  	[sflag:s18] =	ssyncset.done $0x0  }
0x3e: {  	[sflag:s18] =	ssyncadd.s32 $0xFFFFD800  }
0x3f: {  	[spmem:s12] =	stream.linear.scatter [tilespmem:s17], [sflag:$0x2], $0x2800, $0x38;
	[tilespmem:$0x16900] =	vst v63  }
0x40: {  	_ =	swait.ge [sflag:s18], $0x2800  }
0x41: {  	[sflag:s18] =	ssyncset.done $0x0  }
0x42: {  	[sflag:s18] =	ssyncadd.s32 $0xFFFFD800  }
0x43: {  	s30 =	sadd.s32 $0x0, s16;
	[bflag:$0x0] =	sbarrier.arrive $0xFFFF  }
0x44: {  	[tilespmem:s19], [sflag:$0x2] =	stream.linear.gather [hbm4b:s30+s4], $0x50, $0x38;
	[tilespmem:$0x16900] =	vst v63  }
0x45: {  	_ =	swait.ge [sflag:s18], $0x50  }
0x46: {  	[sflag:s18] =	ssyncset.done $0x0  }
0x47: {  	s31 =	sadd.s32 $0x0, s15;
	[sflag:s18] =	ssyncadd.s32 $0xFFFFFFB0  }
0x48: {  	[tilespmem:s20], [sflag:$0x2] =	stream.linear.gather [hbm4b:s31+s4], $0x50, $0x38;
	[tilespmem:$0x16900] =	vst v63  }
0x49: {  	_ =	swait.ge [sflag:s18], $0x50  }
0x4a: {  	[sflag:s18] =	ssyncset.done $0x0  }
0x4b: {  	[sflag:s18] =	ssyncadd.s32 $0xFFFFFFB0  }
0x4c: {  	[tilespmem:s17], [sflag:$0x1] =	stream.indirect.gather [hbm4b:s1+s21], $0x80, s19, s21, $0xb8;
	[tilespmem:$0x16900] =	vst v63  }
0x4d: {  	_ =	swait.ge [sflag:s22], $0x2800  }
0x4e: {  	[sflag:s22] =	ssyncset.done $0x0  }
0x4f: {  	[sflag:s22] =	ssyncadd.s32 $0xFFFFD800  }
0x50: {  	[spmem:s3] =	stream.indirect.scatter.add.f32 [tilespmem:s17], [sflag:$0x2], $0x80, s20, s21, $0xb8;
	[tilespmem:$0x16900] =	vst v63  }
0x51: {  	_ =	swait.ge [sflag:s18], $0x2800  }
0x52: {  	s24 =	simm.s32 $0xA;
	s25 =	simm.s32 $0x14;
	[sflag:s18] =	ssyncset.done $0x0  }
.LBB2_4:
0x53: {  	s26 =	sadd.s32 s24, s16  }
0x54: {  	[sflag:s18] =	ssyncadd.s32 $0xFFFFD800;
	s28 =	smov.u32 s25;
	s29 =	sadd.s32 $0xA, s25  }
0x55: {  	[tilespmem:s19], [sflag:$0x2] =	stream.linear.gather [hbm4b:s26+s4], $0x50, $0x38;
	[tilespmem:$0x16900] =	vst v63  }
0x56: {  	p0 =	sne.s32 s25, $0x4D8;
	_ =	swait.ge [sflag:s18], $0x50  }
0x57: {  	[sflag:s18] =	ssyncset.done $0x0  }
0x58: {  	s25 =	sadd.s32 s24, s15;
	s24 =	smov.u32 s28;
	[sflag:s18] =	ssyncadd.s32 $0xFFFFFFB0  }
0x59: {  	[tilespmem:s20], [sflag:$0x2] =	stream.linear.gather [hbm4b:s25+s4], $0x50, $0x38;
	[tilespmem:$0x16900] =	vst v63  }
0x5a: {  	_ =	swait.ge [sflag:s18], $0x50  }
0x5b: {  	[sflag:s18] =	ssyncset.done $0x0  }
0x5c: {  	[sflag:s18] =	ssyncadd.s32 $0xFFFFFFB0  }
0x5d: {  	[tilespmem:s17], [sflag:$0x1] =	stream.indirect.gather [hbm4b:s1+s21], $0x80, s19, s21, $0xb8;
	[tilespmem:$0x16900] =	vst v63  }
0x5e: {  	_ =	swait.ge [sflag:s22], $0x2800  }
.Ltmp1:
0x5f: {  	[sflag:s22] =	ssyncset.done $0x0;
	(pc) =	sbr.rel @p0 .LBB2_4-.Ltmp1, $4  }
0x60: {  	[sflag:s22] =	ssyncadd.s32 $0xFFFFD800  }
0x61: {  	[spmem:s3] =	stream.indirect.scatter.add.f32 [tilespmem:s17], [sflag:$0x2], $0x80, s20, s21, $0xb8;
	[tilespmem:$0x16900] =	vst v63  }
0x62: {  	_ =	swait.ge [sflag:s18], $0x2800  }
0x63: {  	s25 =	smov.u32 s29;
	[sflag:s18] =	ssyncset.done $0x0  }
0x64: {  	s25 =	sadd.s32 s24, s16;
	[sflag:s18] =	ssyncadd.s32 $0xFFFFD800  }
0x65: {  	[tilespmem:s19], [sflag:$0x2] =	stream.linear.gather [hbm4b:s25+s4], $0x50, $0x38;
	[tilespmem:$0x16900] =	vst v63  }
0x66: {  	_ =	swait.ge [sflag:s18], $0x50  }
0x67: {  	[sflag:s18] =	ssyncset.done $0x0  }
0x68: {  	s29 =	sadd.s32 s24, s15;
	[sflag:s18] =	ssyncadd.s32 $0xFFFFFFB0  }
0x69: {  	[tilespmem:s20], [sflag:$0x2] =	stream.linear.gather [hbm4b:s29+s4], $0x50, $0x38;
	[tilespmem:$0x16900] =	vst v63  }
0x6a: {  	_ =	swait.ge [sflag:s18], $0x50  }
0x6b: {  	[sflag:s18] =	ssyncset.done $0x0  }
0x6c: {  	[sflag:s18] =	ssyncadd.s32 $0xFFFFFFB0  }
0x6d: {  	[tilespmem:s17], [sflag:$0x1] =	stream.indirect.gather [hbm4b:s1+s21], $0x80, s19, s21, $0xb8;
	[tilespmem:$0x16900] =	vst v63  }
0x6e: {  	_ =	swait.ge [sflag:s22], $0x2800  }
0x6f: {  	[sflag:s22] =	ssyncset.done $0x0  }
0x70: {  	[sflag:s22] =	ssyncadd.s32 $0xFFFFD800  }
0x71: {  	[spmem:s3] =	stream.indirect.scatter.add.f32 [tilespmem:s17], [sflag:$0x2], $0x80, s20, s21, $0xb8;
	[tilespmem:$0x16900] =	vst v63  }
0x72: {  	_ =	swait.ge [sflag:s18], $0x2800  }
0x73: {  	s30 =	sshll.u32 s0, $0x6;
	s23 =	sadd.s32 $0x1, s23;
	[sflag:s18] =	ssyncset.done $0x0  }
0x74: {  	s31 =	sshrl.u32 s5, $0x3;
	p0 =	sne.s32 s23, s14;
	[sflag:s18] =	ssyncadd.s32 $0xFFFFD800  }
.Ltmp2:
0x75: {  	s24 =	sor.u32 $0x1C02, s30;
	[bflag:$0x0] =	sbarrier.arrive $0xFFFF;
	(pc) =	sbr.rel @p0 .LBB2_1-.Ltmp2, $4  }
0x76: {  	[hbm:s13], [sflag:s24] =	dma.local [spmem:s31], $0x2800  }
0x77: {  	_ =	swait.ge [sflag:s18], $0x2800  }
0x78: {  	[sflag:s18] =	ssyncset.done $0x0  }
0x79: {  	[sflag:s18] =	ssyncadd.s32 $0xFFFFD800  }
0x7a: {  	_ =	sfence.sel $0x180000  }
0x7b: {  	[bflag:$0x0] =	sbarrier.arrive $0xFFFF  }
0x7c: {  	p0 =	sne.s32 s0, $0x0;
	_ =	strace $0x9000004A  }
0x7d: {  	s0 =	sadd.s32 @!p0 $0x100000, s2;
	[bflag:$0x2] =	sbarrier.arrive $0xFFFF  }
0x7e: {  	[sflag:s0] =	ssyncadd.tile.s32 @!p0 $0x1;
	_ =	shalt  }
.Lfunc_end2:
_tile_overlayer_lowered:
.L_overlay_start_2:
0x7f: {  	(tag) =	ssettag $0x2  }
0x80: {  	s0 =	rddreg [dreg:$0x0];
	s2 =	stileid.u32  }
0x81: {  	s1 =	rddreg [dreg:$0x1];
	p0 =	sne.s32 s2, $0x0  }
0x82: {  	s3 =	rddreg [dreg:$0x2];
	[bflag:$0x3] =	sbarrier.arrive $0xFFFF;
	s2 =	simm.s32 @!p0 $0x1C02  }
0x83: {  	[timem:s3], [sflag:s2] =	dma.local @!p0 [hbm:s0], s1  }
0x84: {  	s0 =	simm.s32 @!p0 $0x2  }
0x85: {  	_ =	swait.ge @!p0 [sflag:s0], s1  }
0x86: {  	s1 =	ssub.s32 @!p0 $0x0, s1;
	[sflag:s0] =	ssyncset.done @!p0 $0x0  }
0x87: {  	[sflag:s0] =	ssyncadd.s32 @!p0 s1  }
0x88: {  	[bflag:$0x3] =	sbarrier.arrive $0xFFFF  }
0x89: {  	_ =	shalt  }

</sc_bundles>
